<compile_context>
chip_gen: v7x
topology: tpu7x:2x2x1
jax: 0.10.2.dev20260603
libtpu: 0.0.44.dev20260713+nightly
codegen_flags: <defaults>
</compile_context>

<pallas_src>
import functools

import jax
import jax.numpy as jnp
from jax import lax
from jax.experimental import pallas as pl
from jax.experimental.pallas import tpu as pltpu
from jax.experimental.pallas import tpu_sc as plsc

NUM_NEG = 20
R = NUM_NEG + 1
NW = 32
SUB = 128
SUBS_PER_CHUNK = 7
CHUNK = SUB * SUBS_PER_CHUNK


def _sc_gather_body(rows_per_w, n_chunks, W_hbm, idx_hbm, out_hbm,
                    idx_v, rows_v, sem):
    wid = lax.axis_index("s") * 2 + lax.axis_index("c")

    def chunk_body(ci, carry):
        base = wid * rows_per_w + ci * CHUNK
        pltpu.sync_copy(idx_hbm.at[pl.ds(base, CHUNK)], idx_v)
        copies = []
        for j in range(SUBS_PER_CHUNK):
            copies.append(pltpu.async_copy(
                W_hbm.at[idx_v.at[pl.ds(j * SUB, SUB)]],
                rows_v.at[pl.ds(j * SUB, SUB)],
                sem))
        for c in copies:
            c.wait()
        pltpu.sync_copy(rows_v, out_hbm.at[pl.ds(base, CHUNK)])
        return carry

    lax.fori_loop(0, n_chunks, chunk_body, 0)


def _sc_gather(W, idx):
    n_rows = idx.shape[0]
    d = W.shape[1]
    rows_per_w = n_rows // NW
    n_chunks = rows_per_w // CHUNK
    mesh = plsc.VectorSubcoreMesh(core_axis_name="c", subcore_axis_name="s")
    return pl.kernel(
        functools.partial(_sc_gather_body, rows_per_w, n_chunks),
        out_type=jax.ShapeDtypeStruct((n_rows, d), jnp.float32),
        mesh=mesh,
        scratch_types=[
            pltpu.VMEM((CHUNK,), jnp.int32),
            pltpu.VMEM((CHUNK, d), jnp.float32),
            pltpu.SemaphoreType.DMA,
        ],
        compiler_params=pltpu.CompilerParams(use_tc_tiling_on_sc=False),
    )(W, idx)


def _tc_body(num_heads, g_ref, e_ref, o_ref):
    i = pl.program_id(0)
    g = g_ref[...]
    e = e_ref[...]
    acc = None
    for r in range(R):
        s = jnp.sum(g[:, r * 32:(r + 1) * 32] * e, axis=1)
        sp = jnp.maximum(s, 0.0) + jnp.log1p(jnp.exp(-jnp.abs(s)))
        contrib = (s - sp) if r == 0 else (-sp)
        acc = contrib if acc is None else acc + contrib
    total = jnp.sum(acc) * (-1.0 / num_heads)

    @pl.when(i == 0)
    def _():
        o_ref[0, 0] = 0.0

    o_ref[0, 0] += total


def _tc_reduce(G2, embeds):
    num_heads = embeds.shape[0]
    blk = 256
    grid = num_heads // blk
    return pl.pallas_call(
        functools.partial(_tc_body, num_heads),
        grid=(grid,),
        in_specs=[
            pl.BlockSpec((blk, R * 32), lambda i: (i, 0)),
            pl.BlockSpec((blk, 32), lambda i: (i, 0)),
        ],
        out_specs=pl.BlockSpec(memory_space=pltpu.SMEM),
        out_shape=jax.ShapeDtypeStruct((1, 1), jnp.float32),
    )(G2, embeds)


def kernel(heads, embeds, tails, W):
    num_heads = heads.shape[0]
    num_nodes = W.shape[0]
    neg_key = jax.random.key(12345)
    neg_tails = jax.random.randint(
        neg_key, (num_heads * NUM_NEG,), 0, num_nodes, dtype=jnp.int32)
    neg_tails = neg_tails.reshape(num_heads, NUM_NEG)
    idx = jnp.concatenate([tails[:, None], neg_tails], axis=1).reshape(-1)
    G = _sc_gather(W, idx)
    G2 = G.reshape(num_heads, R * 32)
    out = _tc_reduce(G2, embeds)
    return out[0, 0]

# --- scband reference (transcript-rebuilt; emitter-appended) ---
"""Pipeline reference for scband-negative-sampling-loss-10239202033917 (READ-ONLY COPY).

The authoritative reference and input builder live on the scoring server;
editing this copy changes nothing except your own understanding.
"""

import jax, jax.numpy as jnp
import numpy as np

NUM_NODES = 1000000
EMBED_DIM = 32
NUM_NEG = 20
BATCH = 16384


def setup_inputs(seed: int = 0) -> dict:
    key = jax.random.key(seed)
    k1, k2, k3, k4 = jax.random.split(key, 4)
    heads = jax.random.randint(k1, (BATCH,), 0, NUM_NODES, dtype=jnp.int64 if jax.config.jax_enable_x64 else jnp.int32).astype(jnp.int32)
    embeds = jax.random.normal(k2, (BATCH, EMBED_DIM), dtype=jnp.float32)
    tails = jax.random.randint(k3, (BATCH,), 0, NUM_NODES, dtype=jnp.int32)
    # learned parameter: weights table, init normal(std=1/sqrt(embedding_dim))
    W = jax.random.normal(k4, (NUM_NODES, EMBED_DIM), dtype=jnp.float32) * (1.0 / np.sqrt(EMBED_DIM))
    return {"heads": heads, "embeds": embeds, "tails": tails, "W": W}


def reference(heads, embeds, tails, W):
    num_heads = heads.shape[0]
    # positive term: gather tail embeddings, dot with embeds
    tail_weights = jnp.take(W, tails, axis=0)                       # [B, d] gather
    log_target = jnp.log(jax.nn.sigmoid(jnp.sum(embeds * tail_weights, axis=1)))  # [B]
    # uniform negative sampling (torch.randint equivalent; fixed key for determinism)
    neg_key = jax.random.key(12345)
    neg_tails = jax.random.randint(neg_key, (num_heads * NUM_NEG,), 0, NUM_NODES, dtype=jnp.int32)
    neg_tails = neg_tails.reshape(num_heads, NUM_NEG)               # [B, K]
    noise = -jnp.take(W, neg_tails, axis=0)                         # [B, K, d] gather
    # bmm(noise, embeds.unsqueeze(-1)) -> [B, K, 1]
    scores = jnp.einsum('bkd,bd->bk', noise, embeds)                # [B, K]
    sum_log_targets = jnp.sum(jnp.log(jax.nn.sigmoid(scores)), axis=1)  # [B]
    loss = log_target + sum_log_targets
    return -jnp.sum(loss) / num_heads

if __name__ == "__main__":
    import jax
    _d = setup_inputs()
    print(jax.jit(kernel)(*tuple(_d.values())))

</pallas_src>

<mosaic_0001>
#map = affine_map<(d0, d1) -> (0, 0)>
#map1 = affine_map<(d0, d1) -> (0)>
module attributes {stable_mosaic.version = 14 : i64} {
  func.func @_sc_gather_body(%arg0: i32, %arg1: i32, %arg2: memref<1000000x32xf32, #tpu.memory_space<hbm>>, %arg3: memref<344064xi32, #tpu.memory_space<hbm>>, %arg4: memref<344064x32xf32, #tpu.memory_space<hbm>>, %arg5: memref<896xi32, #tpu.memory_space<vmem>>, %arg6: memref<896x32xf32, #tpu.memory_space<vmem>>, %arg7: memref<!tpu.dma_semaphore, #tpu.memory_space<semaphore_mem>>) attributes {dimension_semantics = [#tpu.dimension_semantics<core_parallel>, #tpu.dimension_semantics<subcore_parallel>], iteration_bounds = array<i64: 2, 16>, scalar_prefetch = 0 : i64, scratch_operands = 3 : i64, tpu.core_type = #tpu.core_type<sc_vector_subcore>, window_params = [{transform_indices = #map}, {transform_indices = #map1}, {transform_indices = #map}]} {
    %mul3A = arith.constant 2 : i32
    %mul3A_0 = arith.muli %arg1, %mul3A : i32
    %add3A = arith.addi %mul3A_0, %arg0 : i32
    %scan3A = arith.constant 0 : i32
    %scan3A_1 = arith.constant 0 : i32
    %scan3A_2 = arith.constant 12 : i32
    %scan3A_3 = arith.addi %scan3A_1, %scan3A_2 : i32
    %scan3A_4 = arith.constant 1 : i32
    scf.for %scan3A_6 = %scan3A_1 to %scan3A_3 step %scan3A_4  : i32 {
      %mul3A_7 = arith.constant 10752 : i32
      %mul3A_8 = arith.muli %add3A, %mul3A_7 : i32
      %mul3A_9 = arith.constant 896 : i32
      %mul3A_10 = arith.muli %scan3A_6, %mul3A_9 : i32
      %add3A_11 = arith.addi %mul3A_8, %mul3A_10 : i32
      "tpu.region"() ({
        %run_scoped3A = tpu.sem_alloc : memref<!tpu.dma_semaphore, #tpu.memory_space<semaphore_mem>>
        %dma_start3A_122 = tpu.memref_slice %arg3[%add3A_11] : memref<344064xi32, #tpu.memory_space<hbm>> -> memref<896xi32, #tpu.memory_space<hbm>>
        %dma_start3A_123 = tpu.memref_slice %arg3[%add3A_11] : memref<344064xi32, #tpu.memory_space<hbm>> -> memref<896xi32, #tpu.memory_space<hbm>>
        tpu.enqueue_dma source(%dma_start3A_123 : memref<896xi32, #tpu.memory_space<hbm>>) target(%arg5 : memref<896xi32, #tpu.memory_space<vmem>>) target_semaphore(%run_scoped3A : memref<!tpu.dma_semaphore, #tpu.memory_space<semaphore_mem>>)
        %dma_wait3A_124 = tpu.memref_slice %arg3[%add3A_11] : memref<344064xi32, #tpu.memory_space<hbm>> -> memref<896xi32, #tpu.memory_space<hbm>>
        %dma_wait3A_125 = tpu.memref_slice %arg3[%add3A_11] : memref<344064xi32, #tpu.memory_space<hbm>> -> memref<896xi32, #tpu.memory_space<hbm>>
        tpu.wait_dma2 semaphore(%run_scoped3A : memref<!tpu.dma_semaphore, #tpu.memory_space<semaphore_mem>>) src(%dma_wait3A_125 : memref<896xi32, #tpu.memory_space<hbm>>) dst(%arg5 : memref<896xi32, #tpu.memory_space<vmem>>)
        tpu.yield
      }) : () -> ()
      %dma_start3A = arith.constant 0 : i32
      %dma_start3A_12 = arith.constant 0 : i32
      %dma_start3A_13 = tpu.memref_slice %arg6[%dma_start3A, %dma_start3A_12] : memref<896x32xf32, #tpu.memory_space<vmem>> -> memref<128x32xf32, #tpu.memory_space<vmem>>
      %dma_start3A_14 = arith.constant 0 : i32
      %dma_start3A_15 = tpu.memref_slice %arg5[%dma_start3A_14] : memref<896xi32, #tpu.memory_space<vmem>> -> memref<128xi32, #tpu.memory_space<vmem>>
      %dma_start3A_16 = arith.constant 0 : i32
      %dma_start3A_17 = arith.constant 0 : i32
      %dma_start3A_18 = tpu.memref_slice %arg2[%dma_start3A_16, %dma_start3A_17] : memref<1000000x32xf32, #tpu.memory_space<hbm>> -> memref<1000000x32xf32, #tpu.memory_space<hbm>>
      tpu.enqueue_indirect_dma source(%dma_start3A_18 : memref<1000000x32xf32, #tpu.memory_space<hbm>>) target(%dma_start3A_13 : memref<128x32xf32, #tpu.memory_space<vmem>>) offsets(%dma_start3A_15 : memref<128xi32, #tpu.memory_space<vmem>>) semaphore(%arg7 : memref<!tpu.dma_semaphore, #tpu.memory_space<semaphore_mem>>)
      %dma_start3A_19 = arith.constant 128 : i32
      %dma_start3A_20 = arith.constant 0 : i32
      %dma_start3A_21 = tpu.memref_slice %arg6[%dma_start3A_19, %dma_start3A_20] : memref<896x32xf32, #tpu.memory_space<vmem>> -> memref<128x32xf32, #tpu.memory_space<vmem>>
      %dma_start3A_22 = arith.constant 128 : i32
      %dma_start3A_23 = tpu.memref_slice %arg5[%dma_start3A_22] : memref<896xi32, #tpu.memory_space<vmem>> -> memref<128xi32, #tpu.memory_space<vmem>>
      %dma_start3A_24 = arith.constant 0 : i32
      %dma_start3A_25 = arith.constant 0 : i32
      %dma_start3A_26 = tpu.memref_slice %arg2[%dma_start3A_24, %dma_start3A_25] : memref<1000000x32xf32, #tpu.memory_space<hbm>> -> memref<1000000x32xf32, #tpu.memory_space<hbm>>
      tpu.enqueue_indirect_dma source(%dma_start3A_26 : memref<1000000x32xf32, #tpu.memory_space<hbm>>) target(%dma_start3A_21 : memref<128x32xf32, #tpu.memory_space<vmem>>) offsets(%dma_start3A_23 : memref<128xi32, #tpu.memory_space<vmem>>) semaphore(%arg7 : memref<!tpu.dma_semaphore, #tpu.memory_space<semaphore_mem>>)
      %dma_start3A_27 = arith.constant 256 : i32
      %dma_start3A_28 = arith.constant 0 : i32
      %dma_start3A_29 = tpu.memref_slice %arg6[%dma_start3A_27, %dma_start3A_28] : memref<896x32xf32, #tpu.memory_space<vmem>> -> memref<128x32xf32, #tpu.memory_space<vmem>>
      %dma_start3A_30 = arith.constant 256 : i32
      %dma_start3A_31 = tpu.memref_slice %arg5[%dma_start3A_30] : memref<896xi32, #tpu.memory_space<vmem>> -> memref<128xi32, #tpu.memory_space<vmem>>
      %dma_start3A_32 = arith.constant 0 : i32
      %dma_start3A_33 = arith.constant 0 : i32
      %dma_start3A_34 = tpu.memref_slice %arg2[%dma_start3A_32, %dma_start3A_33] : memref<1000000x32xf32, #tpu.memory_space<hbm>> -> memref<1000000x32xf32, #tpu.memory_space<hbm>>
      tpu.enqueue_indirect_dma source(%dma_start3A_34 : memref<1000000x32xf32, #tpu.memory_space<hbm>>) target(%dma_start3A_29 : memref<128x32xf32, #tpu.memory_space<vmem>>) offsets(%dma_start3A_31 : memref<128xi32, #tpu.memory_space<vmem>>) semaphore(%arg7 : memref<!tpu.dma_semaphore, #tpu.memory_space<semaphore_mem>>)
      %dma_start3A_35 = arith.constant 384 : i32
      %dma_start3A_36 = arith.constant 0 : i32
      %dma_start3A_37 = tpu.memref_slice %arg6[%dma_start3A_35, %dma_start3A_36] : memref<896x32xf32, #tpu.memory_space<vmem>> -> memref<128x32xf32, #tpu.memory_space<vmem>>
      %dma_start3A_38 = arith.constant 384 : i32
      %dma_start3A_39 = tpu.memref_slice %arg5[%dma_start3A_38] : memref<896xi32, #tpu.memory_space<vmem>> -> memref<128xi32, #tpu.memory_space<vmem>>
      %dma_start3A_40 = arith.constant 0 : i32
      %dma_start3A_41 = arith.constant 0 : i32
      %dma_start3A_42 = tpu.memref_slice %arg2[%dma_start3A_40, %dma_start3A_41] : memref<1000000x32xf32, #tpu.memory_space<hbm>> -> memref<1000000x32xf32, #tpu.memory_space<hbm>>
      tpu.enqueue_indirect_dma source(%dma_start3A_42 : memref<1000000x32xf32, #tpu.memory_space<hbm>>) target(%dma_start3A_37 : memref<128x32xf32, #tpu.memory_space<vmem>>) offsets(%dma_start3A_39 : memref<128xi32, #tpu.memory_space<vmem>>) semaphore(%arg7 : memref<!tpu.dma_semaphore, #tpu.memory_space<semaphore_mem>>)
      %dma_start3A_43 = arith.constant 512 : i32
      %dma_start3A_44 = arith.constant 0 : i32
      %dma_start3A_45 = tpu.memref_slice %arg6[%dma_start3A_43, %dma_start3A_44] : memref<896x32xf32, #tpu.memory_space<vmem>> -> memref<128x32xf32, #tpu.memory_space<vmem>>
      %dma_start3A_46 = arith.constant 512 : i32
      %dma_start3A_47 = tpu.memref_slice %arg5[%dma_start3A_46] : memref<896xi32, #tpu.memory_space<vmem>> -> memref<128xi32, #tpu.memory_space<vmem>>
      %dma_start3A_48 = arith.constant 0 : i32
      %dma_start3A_49 = arith.constant 0 : i32
      %dma_start3A_50 = tpu.memref_slice %arg2[%dma_start3A_48, %dma_start3A_49] : memref<1000000x32xf32, #tpu.memory_space<hbm>> -> memref<1000000x32xf32, #tpu.memory_space<hbm>>
      tpu.enqueue_indirect_dma source(%dma_start3A_50 : memref<1000000x32xf32, #tpu.memory_space<hbm>>) target(%dma_start3A_45 : memref<128x32xf32, #tpu.memory_space<vmem>>) offsets(%dma_start3A_47 : memref<128xi32, #tpu.memory_space<vmem>>) semaphore(%arg7 : memref<!tpu.dma_semaphore, #tpu.memory_space<semaphore_mem>>)
      %dma_start3A_51 = arith.constant 640 : i32
      %dma_start3A_52 = arith.constant 0 : i32
      %dma_start3A_53 = tpu.memref_slice %arg6[%dma_start3A_51, %dma_start3A_52] : memref<896x32xf32, #tpu.memory_space<vmem>> -> memref<128x32xf32, #tpu.memory_space<vmem>>
      %dma_start3A_54 = arith.constant 640 : i32
      %dma_start3A_55 = tpu.memref_slice %arg5[%dma_start3A_54] : memref<896xi32, #tpu.memory_space<vmem>> -> memref<128xi32, #tpu.memory_space<vmem>>
      %dma_start3A_56 = arith.constant 0 : i32
      %dma_start3A_57 = arith.constant 0 : i32
      %dma_start3A_58 = tpu.memref_slice %arg2[%dma_start3A_56, %dma_start3A_57] : memref<1000000x32xf32, #tpu.memory_space<hbm>> -> memref<1000000x32xf32, #tpu.memory_space<hbm>>
      tpu.enqueue_indirect_dma source(%dma_start3A_58 : memref<1000000x32xf32, #tpu.memory_space<hbm>>) target(%dma_start3A_53 : memref<128x32xf32, #tpu.memory_space<vmem>>) offsets(%dma_start3A_55 : memref<128xi32, #tpu.memory_space<vmem>>) semaphore(%arg7 : memref<!tpu.dma_semaphore, #tpu.memory_space<semaphore_mem>>)
      %dma_start3A_59 = arith.constant 768 : i32
      %dma_start3A_60 = arith.constant 0 : i32
      %dma_start3A_61 = tpu.memref_slice %arg6[%dma_start3A_59, %dma_start3A_60] : memref<896x32xf32, #tpu.memory_space<vmem>> -> memref<128x32xf32, #tpu.memory_space<vmem>>
      %dma_start3A_62 = arith.constant 768 : i32
      %dma_start3A_63 = tpu.memref_slice %arg5[%dma_start3A_62] : memref<896xi32, #tpu.memory_space<vmem>> -> memref<128xi32, #tpu.memory_space<vmem>>
      %dma_start3A_64 = arith.constant 0 : i32
      %dma_start3A_65 = arith.constant 0 : i32
      %dma_start3A_66 = tpu.memref_slice %arg2[%dma_start3A_64, %dma_start3A_65] : memref<1000000x32xf32, #tpu.memory_space<hbm>> -> memref<1000000x32xf32, #tpu.memory_space<hbm>>
      tpu.enqueue_indirect_dma source(%dma_start3A_66 : memref<1000000x32xf32, #tpu.memory_space<hbm>>) target(%dma_start3A_61 : memref<128x32xf32, #tpu.memory_space<vmem>>) offsets(%dma_start3A_63 : memref<128xi32, #tpu.memory_space<vmem>>) semaphore(%arg7 : memref<!tpu.dma_semaphore, #tpu.memory_space<semaphore_mem>>)
      %dma_wait3A = arith.constant 0 : i32
      %dma_wait3A_67 = arith.constant 0 : i32
      %dma_wait3A_68 = tpu.memref_slice %arg6[%dma_wait3A, %dma_wait3A_67] : memref<896x32xf32, #tpu.memory_space<vmem>> -> memref<128x32xf32, #tpu.memory_space<vmem>>
      %dma_wait3A_69 = arith.constant 0 : i32
      %dma_wait3A_70 = tpu.memref_slice %arg5[%dma_wait3A_69] : memref<896xi32, #tpu.memory_space<vmem>> -> memref<128xi32, #tpu.memory_space<vmem>>
      %dma_wait3A_71 = arith.constant 0 : i32
      %dma_wait3A_72 = arith.constant 0 : i32
      %dma_wait3A_73 = tpu.memref_slice %arg2[%dma_wait3A_71, %dma_wait3A_72] : memref<1000000x32xf32, #tpu.memory_space<hbm>> -> memref<1000000x32xf32, #tpu.memory_space<hbm>>
      tpu.wait_indirect_dma semaphore(%arg7 : memref<!tpu.dma_semaphore, #tpu.memory_space<semaphore_mem>>) src(%dma_wait3A_73 : memref<1000000x32xf32, #tpu.memory_space<hbm>>) dst(%dma_wait3A_68 : memref<128x32xf32, #tpu.memory_space<vmem>>)
      %dma_wait3A_74 = arith.constant 128 : i32
      %dma_wait3A_75 = arith.constant 0 : i32
      %dma_wait3A_76 = tpu.memref_slice %arg6[%dma_wait3A_74, %dma_wait3A_75] : memref<896x32xf32, #tpu.memory_space<vmem>> -> memref<128x32xf32, #tpu.memory_space<vmem>>
      %dma_wait3A_77 = arith.constant 128 : i32
      %dma_wait3A_78 = tpu.memref_slice %arg5[%dma_wait3A_77] : memref<896xi32, #tpu.memory_space<vmem>> -> memref<128xi32, #tpu.memory_space<vmem>>
      %dma_wait3A_79 = arith.constant 0 : i32
      %dma_wait3A_80 = arith.constant 0 : i32
      %dma_wait3A_81 = tpu.memref_slice %arg2[%dma_wait3A_79, %dma_wait3A_80] : memref<1000000x32xf32, #tpu.memory_space<hbm>> -> memref<1000000x32xf32, #tpu.memory_space<hbm>>
      tpu.wait_indirect_dma semaphore(%arg7 : memref<!tpu.dma_semaphore, #tpu.memory_space<semaphore_mem>>) src(%dma_wait3A_81 : memref<1000000x32xf32, #tpu.memory_space<hbm>>) dst(%dma_wait3A_76 : memref<128x32xf32, #tpu.memory_space<vmem>>)
      %dma_wait3A_82 = arith.constant 256 : i32
      %dma_wait3A_83 = arith.constant 0 : i32
      %dma_wait3A_84 = tpu.memref_slice %arg6[%dma_wait3A_82, %dma_wait3A_83] : memref<896x32xf32, #tpu.memory_space<vmem>> -> memref<128x32xf32, #tpu.memory_space<vmem>>
      %dma_wait3A_85 = arith.constant 256 : i32
      %dma_wait3A_86 = tpu.memref_slice %arg5[%dma_wait3A_85] : memref<896xi32, #tpu.memory_space<vmem>> -> memref<128xi32, #tpu.memory_space<vmem>>
      %dma_wait3A_87 = arith.constant 0 : i32
      %dma_wait3A_88 = arith.constant 0 : i32
      %dma_wait3A_89 = tpu.memref_slice %arg2[%dma_wait3A_87, %dma_wait3A_88] : memref<1000000x32xf32, #tpu.memory_space<hbm>> -> memref<1000000x32xf32, #tpu.memory_space<hbm>>
      tpu.wait_indirect_dma semaphore(%arg7 : memref<!tpu.dma_semaphore, #tpu.memory_space<semaphore_mem>>) src(%dma_wait3A_89 : memref<1000000x32xf32, #tpu.memory_space<hbm>>) dst(%dma_wait3A_84 : memref<128x32xf32, #tpu.memory_space<vmem>>)
      %dma_wait3A_90 = arith.constant 384 : i32
      %dma_wait3A_91 = arith.constant 0 : i32
      %dma_wait3A_92 = tpu.memref_slice %arg6[%dma_wait3A_90, %dma_wait3A_91] : memref<896x32xf32, #tpu.memory_space<vmem>> -> memref<128x32xf32, #tpu.memory_space<vmem>>
      %dma_wait3A_93 = arith.constant 384 : i32
      %dma_wait3A_94 = tpu.memref_slice %arg5[%dma_wait3A_93] : memref<896xi32, #tpu.memory_space<vmem>> -> memref<128xi32, #tpu.memory_space<vmem>>
      %dma_wait3A_95 = arith.constant 0 : i32
      %dma_wait3A_96 = arith.constant 0 : i32
      %dma_wait3A_97 = tpu.memref_slice %arg2[%dma_wait3A_95, %dma_wait3A_96] : memref<1000000x32xf32, #tpu.memory_space<hbm>> -> memref<1000000x32xf32, #tpu.memory_space<hbm>>
      tpu.wait_indirect_dma semaphore(%arg7 : memref<!tpu.dma_semaphore, #tpu.memory_space<semaphore_mem>>) src(%dma_wait3A_97 : memref<1000000x32xf32, #tpu.memory_space<hbm>>) dst(%dma_wait3A_92 : memref<128x32xf32, #tpu.memory_space<vmem>>)
      %dma_wait3A_98 = arith.constant 512 : i32
      %dma_wait3A_99 = arith.constant 0 : i32
      %dma_wait3A_100 = tpu.memref_slice %arg6[%dma_wait3A_98, %dma_wait3A_99] : memref<896x32xf32, #tpu.memory_space<vmem>> -> memref<128x32xf32, #tpu.memory_space<vmem>>
      %dma_wait3A_101 = arith.constant 512 : i32
      %dma_wait3A_102 = tpu.memref_slice %arg5[%dma_wait3A_101] : memref<896xi32, #tpu.memory_space<vmem>> -> memref<128xi32, #tpu.memory_space<vmem>>
      %dma_wait3A_103 = arith.constant 0 : i32
      %dma_wait3A_104 = arith.constant 0 : i32
      %dma_wait3A_105 = tpu.memref_slice %arg2[%dma_wait3A_103, %dma_wait3A_104] : memref<1000000x32xf32, #tpu.memory_space<hbm>> -> memref<1000000x32xf32, #tpu.memory_space<hbm>>
      tpu.wait_indirect_dma semaphore(%arg7 : memref<!tpu.dma_semaphore, #tpu.memory_space<semaphore_mem>>) src(%dma_wait3A_105 : memref<1000000x32xf32, #tpu.memory_space<hbm>>) dst(%dma_wait3A_100 : memref<128x32xf32, #tpu.memory_space<vmem>>)
      %dma_wait3A_106 = arith.constant 640 : i32
      %dma_wait3A_107 = arith.constant 0 : i32
      %dma_wait3A_108 = tpu.memref_slice %arg6[%dma_wait3A_106, %dma_wait3A_107] : memref<896x32xf32, #tpu.memory_space<vmem>> -> memref<128x32xf32, #tpu.memory_space<vmem>>
      %dma_wait3A_109 = arith.constant 640 : i32
      %dma_wait3A_110 = tpu.memref_slice %arg5[%dma_wait3A_109] : memref<896xi32, #tpu.memory_space<vmem>> -> memref<128xi32, #tpu.memory_space<vmem>>
      %dma_wait3A_111 = arith.constant 0 : i32
      %dma_wait3A_112 = arith.constant 0 : i32
      %dma_wait3A_113 = tpu.memref_slice %arg2[%dma_wait3A_111, %dma_wait3A_112] : memref<1000000x32xf32, #tpu.memory_space<hbm>> -> memref<1000000x32xf32, #tpu.memory_space<hbm>>
      tpu.wait_indirect_dma semaphore(%arg7 : memref<!tpu.dma_semaphore, #tpu.memory_space<semaphore_mem>>) src(%dma_wait3A_113 : memref<1000000x32xf32, #tpu.memory_space<hbm>>) dst(%dma_wait3A_108 : memref<128x32xf32, #tpu.memory_space<vmem>>)
      %dma_wait3A_114 = arith.constant 768 : i32
      %dma_wait3A_115 = arith.constant 0 : i32
      %dma_wait3A_116 = tpu.memref_slice %arg6[%dma_wait3A_114, %dma_wait3A_115] : memref<896x32xf32, #tpu.memory_space<vmem>> -> memref<128x32xf32, #tpu.memory_space<vmem>>
      %dma_wait3A_117 = arith.constant 768 : i32
      %dma_wait3A_118 = tpu.memref_slice %arg5[%dma_wait3A_117] : memref<896xi32, #tpu.memory_space<vmem>> -> memref<128xi32, #tpu.memory_space<vmem>>
      %dma_wait3A_119 = arith.constant 0 : i32
      %dma_wait3A_120 = arith.constant 0 : i32
      %dma_wait3A_121 = tpu.memref_slice %arg2[%dma_wait3A_119, %dma_wait3A_120] : memref<1000000x32xf32, #tpu.memory_space<hbm>> -> memref<1000000x32xf32, #tpu.memory_space<hbm>>
      tpu.wait_indirect_dma semaphore(%arg7 : memref<!tpu.dma_semaphore, #tpu.memory_space<semaphore_mem>>) src(%dma_wait3A_121 : memref<1000000x32xf32, #tpu.memory_space<hbm>>) dst(%dma_wait3A_116 : memref<128x32xf32, #tpu.memory_space<vmem>>)
      "tpu.region"() ({
        %run_scoped3A = tpu.sem_alloc : memref<!tpu.dma_semaphore, #tpu.memory_space<semaphore_mem>>
        %dma_start3A_122 = arith.constant 0 : i32
        %dma_start3A_123 = tpu.memref_slice %arg4[%add3A_11, %dma_start3A_122] : memref<344064x32xf32, #tpu.memory_space<hbm>> -> memref<896x32xf32, #tpu.memory_space<hbm>>
        %dma_start3A_124 = arith.constant 0 : i32
        %dma_start3A_125 = tpu.memref_slice %arg4[%add3A_11, %dma_start3A_124] : memref<344064x32xf32, #tpu.memory_space<hbm>> -> memref<896x32xf32, #tpu.memory_space<hbm>>
        tpu.enqueue_dma source(%arg6 : memref<896x32xf32, #tpu.memory_space<vmem>>) target(%dma_start3A_125 : memref<896x32xf32, #tpu.memory_space<hbm>>) target_semaphore(%run_scoped3A : memref<!tpu.dma_semaphore, #tpu.memory_space<semaphore_mem>>)
        %dma_wait3A_126 = arith.constant 0 : i32
        %dma_wait3A_127 = tpu.memref_slice %arg4[%add3A_11, %dma_wait3A_126] : memref<344064x32xf32, #tpu.memory_space<hbm>> -> memref<896x32xf32, #tpu.memory_space<hbm>>
        %dma_wait3A_128 = arith.constant 0 : i32
        %dma_wait3A_129 = tpu.memref_slice %arg4[%add3A_11, %dma_wait3A_128] : memref<344064x32xf32, #tpu.memory_space<hbm>> -> memref<896x32xf32, #tpu.memory_space<hbm>>
        tpu.wait_dma2 semaphore(%run_scoped3A : memref<!tpu.dma_semaphore, #tpu.memory_space<semaphore_mem>>) src(%arg6 : memref<896x32xf32, #tpu.memory_space<vmem>>) dst(%dma_wait3A_129 : memref<896x32xf32, #tpu.memory_space<hbm>>)
        tpu.yield
      }) : () -> ()
    }
    %scan3A_5 = arith.constant 12 : i32
    return
  }
}

module attributes {stable_mosaic.version = 14 : i64} {
  func.func @_tc_body(%arg0: i32, %arg1: memref<256x672xf32, #tpu.memory_space<vmem>>, %arg2: memref<256x32xf32, #tpu.memory_space<vmem>>, %arg3: memref<1x1xf32, #tpu.memory_space<smem>>) attributes {dimension_semantics = [#tpu.dimension_semantics<arbitrary>], iteration_bounds = array<i64: 64>, scalar_prefetch = 0 : i64, scratch_operands = 0 : i64, tpu.core_type = #tpu.core_type<tc>, window_params = [{transform_indices = @transform_0, window_bounds = array<i64: 256, 672>}, {transform_indices = @transform_1, window_bounds = array<i64: 256, 32>}, {transform_indices = @transform_2, window_bounds = array<i64: 1, 1>}]} {
    %get3A = arith.constant 0 : index
    %get3A_0 = arith.constant 0 : index
    %get3A_1 = vector.load %arg1[%get3A, %get3A_0] : memref<256x672xf32, #tpu.memory_space<vmem>>, vector<256x672xf32>
    %get3A_2 = arith.constant 0 : index
    %get3A_3 = arith.constant 0 : index
    %get3A_4 = vector.load %arg2[%get3A_2, %get3A_3] : memref<256x32xf32, #tpu.memory_space<vmem>>, vector<256x32xf32>
    %slice3A = vector.extract_strided_slice %get3A_1 {offsets = [0, 0], sizes = [256, 32], strides = [1, 1]} : vector<256x672xf32> to vector<256x32xf32>
    %mul3A = arith.mulf %slice3A, %get3A_4 : vector<256x32xf32>
    %reduce_sum3A = arith.constant dense<0.000000e+00> : vector<256xf32>
    %reduce_sum3A_5 = vector.multi_reduction <add>, %mul3A, %reduce_sum3A [1] : vector<256x32xf32> to vector<256xf32>
    %max3A = arith.constant 0.000000e+00 : f32
    %max3A_6 = vector.broadcast %max3A : f32 to vector<256xf32>
    %max3A_7 = arith.maximumf %reduce_sum3A_5, %max3A_6 : vector<256xf32>
    %abs3A = math.absf %reduce_sum3A_5 : vector<256xf32>
    %neg3A = arith.constant 0.000000e+00 : f32
    %neg3A_8 = vector.broadcast %neg3A : f32 to vector<256xf32>
    %neg3A_9 = arith.subf %neg3A_8, %abs3A : vector<256xf32>
    %exp3A = math.exp %neg3A_9 : vector<256xf32>
    %log1p3A = math.log1p %exp3A : vector<256xf32>
    %add3A = arith.addf %max3A_7, %log1p3A : vector<256xf32>
    %sub3A = arith.subf %reduce_sum3A_5, %add3A : vector<256xf32>
    %slice3A_10 = vector.extract_strided_slice %get3A_1 {offsets = [0, 32], sizes = [256, 32], strides = [1, 1]} : vector<256x672xf32> to vector<256x32xf32>
    %mul3A_11 = arith.mulf %slice3A_10, %get3A_4 : vector<256x32xf32>
    %reduce_sum3A_12 = arith.constant dense<0.000000e+00> : vector<256xf32>
    %reduce_sum3A_13 = vector.multi_reduction <add>, %mul3A_11, %reduce_sum3A_12 [1] : vector<256x32xf32> to vector<256xf32>
    %max3A_14 = arith.constant 0.000000e+00 : f32
    %max3A_15 = vector.broadcast %max3A_14 : f32 to vector<256xf32>
    %max3A_16 = arith.maximumf %reduce_sum3A_13, %max3A_15 : vector<256xf32>
    %abs3A_17 = math.absf %reduce_sum3A_13 : vector<256xf32>
    %neg3A_18 = arith.constant 0.000000e+00 : f32
    %neg3A_19 = vector.broadcast %neg3A_18 : f32 to vector<256xf32>
    %neg3A_20 = arith.subf %neg3A_19, %abs3A_17 : vector<256xf32>
    %exp3A_21 = math.exp %neg3A_20 : vector<256xf32>
    %log1p3A_22 = math.log1p %exp3A_21 : vector<256xf32>
    %add3A_23 = arith.addf %max3A_16, %log1p3A_22 : vector<256xf32>
    %neg3A_24 = arith.constant 0.000000e+00 : f32
    %neg3A_25 = vector.broadcast %neg3A_24 : f32 to vector<256xf32>
    %neg3A_26 = arith.subf %neg3A_25, %add3A_23 : vector<256xf32>
    %add3A_27 = arith.addf %sub3A, %neg3A_26 : vector<256xf32>
    %slice3A_28 = vector.extract_strided_slice %get3A_1 {offsets = [0, 64], sizes = [256, 32], strides = [1, 1]} : vector<256x672xf32> to vector<256x32xf32>
    %mul3A_29 = arith.mulf %slice3A_28, %get3A_4 : vector<256x32xf32>
    %reduce_sum3A_30 = arith.constant dense<0.000000e+00> : vector<256xf32>
    %reduce_sum3A_31 = vector.multi_reduction <add>, %mul3A_29, %reduce_sum3A_30 [1] : vector<256x32xf32> to vector<256xf32>
    %max3A_32 = arith.constant 0.000000e+00 : f32
    %max3A_33 = vector.broadcast %max3A_32 : f32 to vector<256xf32>
    %max3A_34 = arith.maximumf %reduce_sum3A_31, %max3A_33 : vector<256xf32>
    %abs3A_35 = math.absf %reduce_sum3A_31 : vector<256xf32>
    %neg3A_36 = arith.constant 0.000000e+00 : f32
    %neg3A_37 = vector.broadcast %neg3A_36 : f32 to vector<256xf32>
    %neg3A_38 = arith.subf %neg3A_37, %abs3A_35 : vector<256xf32>
    %exp3A_39 = math.exp %neg3A_38 : vector<256xf32>
    %log1p3A_40 = math.log1p %exp3A_39 : vector<256xf32>
    %add3A_41 = arith.addf %max3A_34, %log1p3A_40 : vector<256xf32>
    %neg3A_42 = arith.constant 0.000000e+00 : f32
    %neg3A_43 = vector.broadcast %neg3A_42 : f32 to vector<256xf32>
    %neg3A_44 = arith.subf %neg3A_43, %add3A_41 : vector<256xf32>
    %add3A_45 = arith.addf %add3A_27, %neg3A_44 : vector<256xf32>
    %slice3A_46 = vector.extract_strided_slice %get3A_1 {offsets = [0, 96], sizes = [256, 32], strides = [1, 1]} : vector<256x672xf32> to vector<256x32xf32>
    %mul3A_47 = arith.mulf %slice3A_46, %get3A_4 : vector<256x32xf32>
    %reduce_sum3A_48 = arith.constant dense<0.000000e+00> : vector<256xf32>
    %reduce_sum3A_49 = vector.multi_reduction <add>, %mul3A_47, %reduce_sum3A_48 [1] : vector<256x32xf32> to vector<256xf32>
    %max3A_50 = arith.constant 0.000000e+00 : f32
    %max3A_51 = vector.broadcast %max3A_50 : f32 to vector<256xf32>
    %max3A_52 = arith.maximumf %reduce_sum3A_49, %max3A_51 : vector<256xf32>
    %abs3A_53 = math.absf %reduce_sum3A_49 : vector<256xf32>
    %neg3A_54 = arith.constant 0.000000e+00 : f32
    %neg3A_55 = vector.broadcast %neg3A_54 : f32 to vector<256xf32>
    %neg3A_56 = arith.subf %neg3A_55, %abs3A_53 : vector<256xf32>
    %exp3A_57 = math.exp %neg3A_56 : vector<256xf32>
    %log1p3A_58 = math.log1p %exp3A_57 : vector<256xf32>
    %add3A_59 = arith.addf %max3A_52, %log1p3A_58 : vector<256xf32>
    %neg3A_60 = arith.constant 0.000000e+00 : f32
    %neg3A_61 = vector.broadcast %neg3A_60 : f32 to vector<256xf32>
    %neg3A_62 = arith.subf %neg3A_61, %add3A_59 : vector<256xf32>
    %add3A_63 = arith.addf %add3A_45, %neg3A_62 : vector<256xf32>
    %slice3A_64 = vector.extract_strided_slice %get3A_1 {offsets = [0, 128], sizes = [256, 32], strides = [1, 1]} : vector<256x672xf32> to vector<256x32xf32>
    %mul3A_65 = arith.mulf %slice3A_64, %get3A_4 : vector<256x32xf32>
    %reduce_sum3A_66 = arith.constant dense<0.000000e+00> : vector<256xf32>
    %reduce_sum3A_67 = vector.multi_reduction <add>, %mul3A_65, %reduce_sum3A_66 [1] : vector<256x32xf32> to vector<256xf32>
    %max3A_68 = arith.constant 0.000000e+00 : f32
    %max3A_69 = vector.broadcast %max3A_68 : f32 to vector<256xf32>
    %max3A_70 = arith.maximumf %reduce_sum3A_67, %max3A_69 : vector<256xf32>
    %abs3A_71 = math.absf %reduce_sum3A_67 : vector<256xf32>
    %neg3A_72 = arith.constant 0.000000e+00 : f32
    %neg3A_73 = vector.broadcast %neg3A_72 : f32 to vector<256xf32>
    %neg3A_74 = arith.subf %neg3A_73, %abs3A_71 : vector<256xf32>
    %exp3A_75 = math.exp %neg3A_74 : vector<256xf32>
    %log1p3A_76 = math.log1p %exp3A_75 : vector<256xf32>
    %add3A_77 = arith.addf %max3A_70, %log1p3A_76 : vector<256xf32>
    %neg3A_78 = arith.constant 0.000000e+00 : f32
    %neg3A_79 = vector.broadcast %neg3A_78 : f32 to vector<256xf32>
    %neg3A_80 = arith.subf %neg3A_79, %add3A_77 : vector<256xf32>
    %add3A_81 = arith.addf %add3A_63, %neg3A_80 : vector<256xf32>
    %slice3A_82 = vector.extract_strided_slice %get3A_1 {offsets = [0, 160], sizes = [256, 32], strides = [1, 1]} : vector<256x672xf32> to vector<256x32xf32>
    %mul3A_83 = arith.mulf %slice3A_82, %get3A_4 : vector<256x32xf32>
    %reduce_sum3A_84 = arith.constant dense<0.000000e+00> : vector<256xf32>
    %reduce_sum3A_85 = vector.multi_reduction <add>, %mul3A_83, %reduce_sum3A_84 [1] : vector<256x32xf32> to vector<256xf32>
    %max3A_86 = arith.constant 0.000000e+00 : f32
    %max3A_87 = vector.broadcast %max3A_86 : f32 to vector<256xf32>
    %max3A_88 = arith.maximumf %reduce_sum3A_85, %max3A_87 : vector<256xf32>
    %abs3A_89 = math.absf %reduce_sum3A_85 : vector<256xf32>
    %neg3A_90 = arith.constant 0.000000e+00 : f32
    %neg3A_91 = vector.broadcast %neg3A_90 : f32 to vector<256xf32>
    %neg3A_92 = arith.subf %neg3A_91, %abs3A_89 : vector<256xf32>
    %exp3A_93 = math.exp %neg3A_92 : vector<256xf32>
    %log1p3A_94 = math.log1p %exp3A_93 : vector<256xf32>
    %add3A_95 = arith.addf %max3A_88, %log1p3A_94 : vector<256xf32>
    %neg3A_96 = arith.constant 0.000000e+00 : f32
    %neg3A_97 = vector.broadcast %neg3A_96 : f32 to vector<256xf32>
    %neg3A_98 = arith.subf %neg3A_97, %add3A_95 : vector<256xf32>
    %add3A_99 = arith.addf %add3A_81, %neg3A_98 : vector<256xf32>
    %slice3A_100 = vector.extract_strided_slice %get3A_1 {offsets = [0, 192], sizes = [256, 32], strides = [1, 1]} : vector<256x672xf32> to vector<256x32xf32>
    %mul3A_101 = arith.mulf %slice3A_100, %get3A_4 : vector<256x32xf32>
    %reduce_sum3A_102 = arith.constant dense<0.000000e+00> : vector<256xf32>
    %reduce_sum3A_103 = vector.multi_reduction <add>, %mul3A_101, %reduce_sum3A_102 [1] : vector<256x32xf32> to vector<256xf32>
    %max3A_104 = arith.constant 0.000000e+00 : f32
    %max3A_105 = vector.broadcast %max3A_104 : f32 to vector<256xf32>
    %max3A_106 = arith.maximumf %reduce_sum3A_103, %max3A_105 : vector<256xf32>
    %abs3A_107 = math.absf %reduce_sum3A_103 : vector<256xf32>
    %neg3A_108 = arith.constant 0.000000e+00 : f32
    %neg3A_109 = vector.broadcast %neg3A_108 : f32 to vector<256xf32>
    %neg3A_110 = arith.subf %neg3A_109, %abs3A_107 : vector<256xf32>
    %exp3A_111 = math.exp %neg3A_110 : vector<256xf32>
    %log1p3A_112 = math.log1p %exp3A_111 : vector<256xf32>
    %add3A_113 = arith.addf %max3A_106, %log1p3A_112 : vector<256xf32>
    %neg3A_114 = arith.constant 0.000000e+00 : f32
    %neg3A_115 = vector.broadcast %neg3A_114 : f32 to vector<256xf32>
    %neg3A_116 = arith.subf %neg3A_115, %add3A_113 : vector<256xf32>
    %add3A_117 = arith.addf %add3A_99, %neg3A_116 : vector<256xf32>
    %slice3A_118 = vector.extract_strided_slice %get3A_1 {offsets = [0, 224], sizes = [256, 32], strides = [1, 1]} : vector<256x672xf32> to vector<256x32xf32>
    %mul3A_119 = arith.mulf %slice3A_118, %get3A_4 : vector<256x32xf32>
    %reduce_sum3A_120 = arith.constant dense<0.000000e+00> : vector<256xf32>
    %reduce_sum3A_121 = vector.multi_reduction <add>, %mul3A_119, %reduce_sum3A_120 [1] : vector<256x32xf32> to vector<256xf32>
    %max3A_122 = arith.constant 0.000000e+00 : f32
    %max3A_123 = vector.broadcast %max3A_122 : f32 to vector<256xf32>
    %max3A_124 = arith.maximumf %reduce_sum3A_121, %max3A_123 : vector<256xf32>
    %abs3A_125 = math.absf %reduce_sum3A_121 : vector<256xf32>
    %neg3A_126 = arith.constant 0.000000e+00 : f32
    %neg3A_127 = vector.broadcast %neg3A_126 : f32 to vector<256xf32>
    %neg3A_128 = arith.subf %neg3A_127, %abs3A_125 : vector<256xf32>
    %exp3A_129 = math.exp %neg3A_128 : vector<256xf32>
    %log1p3A_130 = math.log1p %exp3A_129 : vector<256xf32>
    %add3A_131 = arith.addf %max3A_124, %log1p3A_130 : vector<256xf32>
    %neg3A_132 = arith.constant 0.000000e+00 : f32
    %neg3A_133 = vector.broadcast %neg3A_132 : f32 to vector<256xf32>
    %neg3A_134 = arith.subf %neg3A_133, %add3A_131 : vector<256xf32>
    %add3A_135 = arith.addf %add3A_117, %neg3A_134 : vector<256xf32>
    %slice3A_136 = vector.extract_strided_slice %get3A_1 {offsets = [0, 256], sizes = [256, 32], strides = [1, 1]} : vector<256x672xf32> to vector<256x32xf32>
    %mul3A_137 = arith.mulf %slice3A_136, %get3A_4 : vector<256x32xf32>
    %reduce_sum3A_138 = arith.constant dense<0.000000e+00> : vector<256xf32>
    %reduce_sum3A_139 = vector.multi_reduction <add>, %mul3A_137, %reduce_sum3A_138 [1] : vector<256x32xf32> to vector<256xf32>
    %max3A_140 = arith.constant 0.000000e+00 : f32
    %max3A_141 = vector.broadcast %max3A_140 : f32 to vector<256xf32>
    %max3A_142 = arith.maximumf %reduce_sum3A_139, %max3A_141 : vector<256xf32>
    %abs3A_143 = math.absf %reduce_sum3A_139 : vector<256xf32>
    %neg3A_144 = arith.constant 0.000000e+00 : f32
    %neg3A_145 = vector.broadcast %neg3A_144 : f32 to vector<256xf32>
    %neg3A_146 = arith.subf %neg3A_145, %abs3A_143 : vector<256xf32>
    %exp3A_147 = math.exp %neg3A_146 : vector<256xf32>
    %log1p3A_148 = math.log1p %exp3A_147 : vector<256xf32>
    %add3A_149 = arith.addf %max3A_142, %log1p3A_148 : vector<256xf32>
    %neg3A_150 = arith.constant 0.000000e+00 : f32
    %neg3A_151 = vector.broadcast %neg3A_150 : f32 to vector<256xf32>
    %neg3A_152 = arith.subf %neg3A_151, %add3A_149 : vector<256xf32>
    %add3A_153 = arith.addf %add3A_135, %neg3A_152 : vector<256xf32>
    %slice3A_154 = vector.extract_strided_slice %get3A_1 {offsets = [0, 288], sizes = [256, 32], strides = [1, 1]} : vector<256x672xf32> to vector<256x32xf32>
    %mul3A_155 = arith.mulf %slice3A_154, %get3A_4 : vector<256x32xf32>
    %reduce_sum3A_156 = arith.constant dense<0.000000e+00> : vector<256xf32>
    %reduce_sum3A_157 = vector.multi_reduction <add>, %mul3A_155, %reduce_sum3A_156 [1] : vector<256x32xf32> to vector<256xf32>
    %max3A_158 = arith.constant 0.000000e+00 : f32
    %max3A_159 = vector.broadcast %max3A_158 : f32 to vector<256xf32>
    %max3A_160 = arith.maximumf %reduce_sum3A_157, %max3A_159 : vector<256xf32>
    %abs3A_161 = math.absf %reduce_sum3A_157 : vector<256xf32>
    %neg3A_162 = arith.constant 0.000000e+00 : f32
    %neg3A_163 = vector.broadcast %neg3A_162 : f32 to vector<256xf32>
    %neg3A_164 = arith.subf %neg3A_163, %abs3A_161 : vector<256xf32>
    %exp3A_165 = math.exp %neg3A_164 : vector<256xf32>
    %log1p3A_166 = math.log1p %exp3A_165 : vector<256xf32>
    %add3A_167 = arith.addf %max3A_160, %log1p3A_166 : vector<256xf32>
    %neg3A_168 = arith.constant 0.000000e+00 : f32
    %neg3A_169 = vector.broadcast %neg3A_168 : f32 to vector<256xf32>
    %neg3A_170 = arith.subf %neg3A_169, %add3A_167 : vector<256xf32>
    %add3A_171 = arith.addf %add3A_153, %neg3A_170 : vector<256xf32>
    %slice3A_172 = vector.extract_strided_slice %get3A_1 {offsets = [0, 320], sizes = [256, 32], strides = [1, 1]} : vector<256x672xf32> to vector<256x32xf32>
    %mul3A_173 = arith.mulf %slice3A_172, %get3A_4 : vector<256x32xf32>
    %reduce_sum3A_174 = arith.constant dense<0.000000e+00> : vector<256xf32>
    %reduce_sum3A_175 = vector.multi_reduction <add>, %mul3A_173, %reduce_sum3A_174 [1] : vector<256x32xf32> to vector<256xf32>
    %max3A_176 = arith.constant 0.000000e+00 : f32
    %max3A_177 = vector.broadcast %max3A_176 : f32 to vector<256xf32>
    %max3A_178 = arith.maximumf %reduce_sum3A_175, %max3A_177 : vector<256xf32>
    %abs3A_179 = math.absf %reduce_sum3A_175 : vector<256xf32>
    %neg3A_180 = arith.constant 0.000000e+00 : f32
    %neg3A_181 = vector.broadcast %neg3A_180 : f32 to vector<256xf32>
    %neg3A_182 = arith.subf %neg3A_181, %abs3A_179 : vector<256xf32>
    %exp3A_183 = math.exp %neg3A_182 : vector<256xf32>
    %log1p3A_184 = math.log1p %exp3A_183 : vector<256xf32>
    %add3A_185 = arith.addf %max3A_178, %log1p3A_184 : vector<256xf32>
    %neg3A_186 = arith.constant 0.000000e+00 : f32
    %neg3A_187 = vector.broadcast %neg3A_186 : f32 to vector<256xf32>
    %neg3A_188 = arith.subf %neg3A_187, %add3A_185 : vector<256xf32>
    %add3A_189 = arith.addf %add3A_171, %neg3A_188 : vector<256xf32>
    %slice3A_190 = vector.extract_strided_slice %get3A_1 {offsets = [0, 352], sizes = [256, 32], strides = [1, 1]} : vector<256x672xf32> to vector<256x32xf32>
    %mul3A_191 = arith.mulf %slice3A_190, %get3A_4 : vector<256x32xf32>
    %reduce_sum3A_192 = arith.constant dense<0.000000e+00> : vector<256xf32>
    %reduce_sum3A_193 = vector.multi_reduction <add>, %mul3A_191, %reduce_sum3A_192 [1] : vector<256x32xf32> to vector<256xf32>
    %max3A_194 = arith.constant 0.000000e+00 : f32
    %max3A_195 = vector.broadcast %max3A_194 : f32 to vector<256xf32>
    %max3A_196 = arith.maximumf %reduce_sum3A_193, %max3A_195 : vector<256xf32>
    %abs3A_197 = math.absf %reduce_sum3A_193 : vector<256xf32>
    %neg3A_198 = arith.constant 0.000000e+00 : f32
    %neg3A_199 = vector.broadcast %neg3A_198 : f32 to vector<256xf32>
    %neg3A_200 = arith.subf %neg3A_199, %abs3A_197 : vector<256xf32>
    %exp3A_201 = math.exp %neg3A_200 : vector<256xf32>
    %log1p3A_202 = math.log1p %exp3A_201 : vector<256xf32>
    %add3A_203 = arith.addf %max3A_196, %log1p3A_202 : vector<256xf32>
    %neg3A_204 = arith.constant 0.000000e+00 : f32
    %neg3A_205 = vector.broadcast %neg3A_204 : f32 to vector<256xf32>
    %neg3A_206 = arith.subf %neg3A_205, %add3A_203 : vector<256xf32>
    %add3A_207 = arith.addf %add3A_189, %neg3A_206 : vector<256xf32>
    %slice3A_208 = vector.extract_strided_slice %get3A_1 {offsets = [0, 384], sizes = [256, 32], strides = [1, 1]} : vector<256x672xf32> to vector<256x32xf32>
    %mul3A_209 = arith.mulf %slice3A_208, %get3A_4 : vector<256x32xf32>
    %reduce_sum3A_210 = arith.constant dense<0.000000e+00> : vector<256xf32>
    %reduce_sum3A_211 = vector.multi_reduction <add>, %mul3A_209, %reduce_sum3A_210 [1] : vector<256x32xf32> to vector<256xf32>
    %max3A_212 = arith.constant 0.000000e+00 : f32
    %max3A_213 = vector.broadcast %max3A_212 : f32 to vector<256xf32>
    %max3A_214 = arith.maximumf %reduce_sum3A_211, %max3A_213 : vector<256xf32>
    %abs3A_215 = math.absf %reduce_sum3A_211 : vector<256xf32>
    %neg3A_216 = arith.constant 0.000000e+00 : f32
    %neg3A_217 = vector.broadcast %neg3A_216 : f32 to vector<256xf32>
    %neg3A_218 = arith.subf %neg3A_217, %abs3A_215 : vector<256xf32>
    %exp3A_219 = math.exp %neg3A_218 : vector<256xf32>
    %log1p3A_220 = math.log1p %exp3A_219 : vector<256xf32>
    %add3A_221 = arith.addf %max3A_214, %log1p3A_220 : vector<256xf32>
    %neg3A_222 = arith.constant 0.000000e+00 : f32
    %neg3A_223 = vector.broadcast %neg3A_222 : f32 to vector<256xf32>
    %neg3A_224 = arith.subf %neg3A_223, %add3A_221 : vector<256xf32>
    %add3A_225 = arith.addf %add3A_207, %neg3A_224 : vector<256xf32>
    %slice3A_226 = vector.extract_strided_slice %get3A_1 {offsets = [0, 416], sizes = [256, 32], strides = [1, 1]} : vector<256x672xf32> to vector<256x32xf32>
    %mul3A_227 = arith.mulf %slice3A_226, %get3A_4 : vector<256x32xf32>
    %reduce_sum3A_228 = arith.constant dense<0.000000e+00> : vector<256xf32>
    %reduce_sum3A_229 = vector.multi_reduction <add>, %mul3A_227, %reduce_sum3A_228 [1] : vector<256x32xf32> to vector<256xf32>
    %max3A_230 = arith.constant 0.000000e+00 : f32
    %max3A_231 = vector.broadcast %max3A_230 : f32 to vector<256xf32>
    %max3A_232 = arith.maximumf %reduce_sum3A_229, %max3A_231 : vector<256xf32>
    %abs3A_233 = math.absf %reduce_sum3A_229 : vector<256xf32>
    %neg3A_234 = arith.constant 0.000000e+00 : f32
    %neg3A_235 = vector.broadcast %neg3A_234 : f32 to vector<256xf32>
    %neg3A_236 = arith.subf %neg3A_235, %abs3A_233 : vector<256xf32>
    %exp3A_237 = math.exp %neg3A_236 : vector<256xf32>
    %log1p3A_238 = math.log1p %exp3A_237 : vector<256xf32>
    %add3A_239 = arith.addf %max3A_232, %log1p3A_238 : vector<256xf32>
    %neg3A_240 = arith.constant 0.000000e+00 : f32
    %neg3A_241 = vector.broadcast %neg3A_240 : f32 to vector<256xf32>
    %neg3A_242 = arith.subf %neg3A_241, %add3A_239 : vector<256xf32>
    %add3A_243 = arith.addf %add3A_225, %neg3A_242 : vector<256xf32>
    %slice3A_244 = vector.extract_strided_slice %get3A_1 {offsets = [0, 448], sizes = [256, 32], strides = [1, 1]} : vector<256x672xf32> to vector<256x32xf32>
    %mul3A_245 = arith.mulf %slice3A_244, %get3A_4 : vector<256x32xf32>
    %reduce_sum3A_246 = arith.constant dense<0.000000e+00> : vector<256xf32>
    %reduce_sum3A_247 = vector.multi_reduction <add>, %mul3A_245, %reduce_sum3A_246 [1] : vector<256x32xf32> to vector<256xf32>
    %max3A_248 = arith.constant 0.000000e+00 : f32
    %max3A_249 = vector.broadcast %max3A_248 : f32 to vector<256xf32>
    %max3A_250 = arith.maximumf %reduce_sum3A_247, %max3A_249 : vector<256xf32>
    %abs3A_251 = math.absf %reduce_sum3A_247 : vector<256xf32>
    %neg3A_252 = arith.constant 0.000000e+00 : f32
    %neg3A_253 = vector.broadcast %neg3A_252 : f32 to vector<256xf32>
    %neg3A_254 = arith.subf %neg3A_253, %abs3A_251 : vector<256xf32>
    %exp3A_255 = math.exp %neg3A_254 : vector<256xf32>
    %log1p3A_256 = math.log1p %exp3A_255 : vector<256xf32>
    %add3A_257 = arith.addf %max3A_250, %log1p3A_256 : vector<256xf32>
    %neg3A_258 = arith.constant 0.000000e+00 : f32
    %neg3A_259 = vector.broadcast %neg3A_258 : f32 to vector<256xf32>
    %neg3A_260 = arith.subf %neg3A_259, %add3A_257 : vector<256xf32>
    %add3A_261 = arith.addf %add3A_243, %neg3A_260 : vector<256xf32>
    %slice3A_262 = vector.extract_strided_slice %get3A_1 {offsets = [0, 480], sizes = [256, 32], strides = [1, 1]} : vector<256x672xf32> to vector<256x32xf32>
    %mul3A_263 = arith.mulf %slice3A_262, %get3A_4 : vector<256x32xf32>
    %reduce_sum3A_264 = arith.constant dense<0.000000e+00> : vector<256xf32>
    %reduce_sum3A_265 = vector.multi_reduction <add>, %mul3A_263, %reduce_sum3A_264 [1] : vector<256x32xf32> to vector<256xf32>
    %max3A_266 = arith.constant 0.000000e+00 : f32
    %max3A_267 = vector.broadcast %max3A_266 : f32 to vector<256xf32>
    %max3A_268 = arith.maximumf %reduce_sum3A_265, %max3A_267 : vector<256xf32>
    %abs3A_269 = math.absf %reduce_sum3A_265 : vector<256xf32>
    %neg3A_270 = arith.constant 0.000000e+00 : f32
    %neg3A_271 = vector.broadcast %neg3A_270 : f32 to vector<256xf32>
    %neg3A_272 = arith.subf %neg3A_271, %abs3A_269 : vector<256xf32>
    %exp3A_273 = math.exp %neg3A_272 : vector<256xf32>
    %log1p3A_274 = math.log1p %exp3A_273 : vector<256xf32>
    %add3A_275 = arith.addf %max3A_268, %log1p3A_274 : vector<256xf32>
    %neg3A_276 = arith.constant 0.000000e+00 : f32
    %neg3A_277 = vector.broadcast %neg3A_276 : f32 to vector<256xf32>
    %neg3A_278 = arith.subf %neg3A_277, %add3A_275 : vector<256xf32>
    %add3A_279 = arith.addf %add3A_261, %neg3A_278 : vector<256xf32>
    %slice3A_280 = vector.extract_strided_slice %get3A_1 {offsets = [0, 512], sizes = [256, 32], strides = [1, 1]} : vector<256x672xf32> to vector<256x32xf32>
    %mul3A_281 = arith.mulf %slice3A_280, %get3A_4 : vector<256x32xf32>
    %reduce_sum3A_282 = arith.constant dense<0.000000e+00> : vector<256xf32>
    %reduce_sum3A_283 = vector.multi_reduction <add>, %mul3A_281, %reduce_sum3A_282 [1] : vector<256x32xf32> to vector<256xf32>
    %max3A_284 = arith.constant 0.000000e+00 : f32
    %max3A_285 = vector.broadcast %max3A_284 : f32 to vector<256xf32>
    %max3A_286 = arith.maximumf %reduce_sum3A_283, %max3A_285 : vector<256xf32>
    %abs3A_287 = math.absf %reduce_sum3A_283 : vector<256xf32>
    %neg3A_288 = arith.constant 0.000000e+00 : f32
    %neg3A_289 = vector.broadcast %neg3A_288 : f32 to vector<256xf32>
    %neg3A_290 = arith.subf %neg3A_289, %abs3A_287 : vector<256xf32>
    %exp3A_291 = math.exp %neg3A_290 : vector<256xf32>
    %log1p3A_292 = math.log1p %exp3A_291 : vector<256xf32>
    %add3A_293 = arith.addf %max3A_286, %log1p3A_292 : vector<256xf32>
    %neg3A_294 = arith.constant 0.000000e+00 : f32
    %neg3A_295 = vector.broadcast %neg3A_294 : f32 to vector<256xf32>
    %neg3A_296 = arith.subf %neg3A_295, %add3A_293 : vector<256xf32>
    %add3A_297 = arith.addf %add3A_279, %neg3A_296 : vector<256xf32>
    %slice3A_298 = vector.extract_strided_slice %get3A_1 {offsets = [0, 544], sizes = [256, 32], strides = [1, 1]} : vector<256x672xf32> to vector<256x32xf32>
    %mul3A_299 = arith.mulf %slice3A_298, %get3A_4 : vector<256x32xf32>
    %reduce_sum3A_300 = arith.constant dense<0.000000e+00> : vector<256xf32>
    %reduce_sum3A_301 = vector.multi_reduction <add>, %mul3A_299, %reduce_sum3A_300 [1] : vector<256x32xf32> to vector<256xf32>
    %max3A_302 = arith.constant 0.000000e+00 : f32
    %max3A_303 = vector.broadcast %max3A_302 : f32 to vector<256xf32>
    %max3A_304 = arith.maximumf %reduce_sum3A_301, %max3A_303 : vector<256xf32>
    %abs3A_305 = math.absf %reduce_sum3A_301 : vector<256xf32>
    %neg3A_306 = arith.constant 0.000000e+00 : f32
    %neg3A_307 = vector.broadcast %neg3A_306 : f32 to vector<256xf32>
    %neg3A_308 = arith.subf %neg3A_307, %abs3A_305 : vector<256xf32>
    %exp3A_309 = math.exp %neg3A_308 : vector<256xf32>
    %log1p3A_310 = math.log1p %exp3A_309 : vector<256xf32>
    %add3A_311 = arith.addf %max3A_304, %log1p3A_310 : vector<256xf32>
    %neg3A_312 = arith.constant 0.000000e+00 : f32
    %neg3A_313 = vector.broadcast %neg3A_312 : f32 to vector<256xf32>
    %neg3A_314 = arith.subf %neg3A_313, %add3A_311 : vector<256xf32>
    %add3A_315 = arith.addf %add3A_297, %neg3A_314 : vector<256xf32>
    %slice3A_316 = vector.extract_strided_slice %get3A_1 {offsets = [0, 576], sizes = [256, 32], strides = [1, 1]} : vector<256x672xf32> to vector<256x32xf32>
    %mul3A_317 = arith.mulf %slice3A_316, %get3A_4 : vector<256x32xf32>
    %reduce_sum3A_318 = arith.constant dense<0.000000e+00> : vector<256xf32>
    %reduce_sum3A_319 = vector.multi_reduction <add>, %mul3A_317, %reduce_sum3A_318 [1] : vector<256x32xf32> to vector<256xf32>
    %max3A_320 = arith.constant 0.000000e+00 : f32
    %max3A_321 = vector.broadcast %max3A_320 : f32 to vector<256xf32>
    %max3A_322 = arith.maximumf %reduce_sum3A_319, %max3A_321 : vector<256xf32>
    %abs3A_323 = math.absf %reduce_sum3A_319 : vector<256xf32>
    %neg3A_324 = arith.constant 0.000000e+00 : f32
    %neg3A_325 = vector.broadcast %neg3A_324 : f32 to vector<256xf32>
    %neg3A_326 = arith.subf %neg3A_325, %abs3A_323 : vector<256xf32>
    %exp3A_327 = math.exp %neg3A_326 : vector<256xf32>
    %log1p3A_328 = math.log1p %exp3A_327 : vector<256xf32>
    %add3A_329 = arith.addf %max3A_322, %log1p3A_328 : vector<256xf32>
    %neg3A_330 = arith.constant 0.000000e+00 : f32
    %neg3A_331 = vector.broadcast %neg3A_330 : f32 to vector<256xf32>
    %neg3A_332 = arith.subf %neg3A_331, %add3A_329 : vector<256xf32>
    %add3A_333 = arith.addf %add3A_315, %neg3A_332 : vector<256xf32>
    %slice3A_334 = vector.extract_strided_slice %get3A_1 {offsets = [0, 608], sizes = [256, 32], strides = [1, 1]} : vector<256x672xf32> to vector<256x32xf32>
    %mul3A_335 = arith.mulf %slice3A_334, %get3A_4 : vector<256x32xf32>
    %reduce_sum3A_336 = arith.constant dense<0.000000e+00> : vector<256xf32>
    %reduce_sum3A_337 = vector.multi_reduction <add>, %mul3A_335, %reduce_sum3A_336 [1] : vector<256x32xf32> to vector<256xf32>
    %max3A_338 = arith.constant 0.000000e+00 : f32
    %max3A_339 = vector.broadcast %max3A_338 : f32 to vector<256xf32>
    %max3A_340 = arith.maximumf %reduce_sum3A_337, %max3A_339 : vector<256xf32>
    %abs3A_341 = math.absf %reduce_sum3A_337 : vector<256xf32>
    %neg3A_342 = arith.constant 0.000000e+00 : f32
    %neg3A_343 = vector.broadcast %neg3A_342 : f32 to vector<256xf32>
    %neg3A_344 = arith.subf %neg3A_343, %abs3A_341 : vector<256xf32>
    %exp3A_345 = math.exp %neg3A_344 : vector<256xf32>
    %log1p3A_346 = math.log1p %exp3A_345 : vector<256xf32>
    %add3A_347 = arith.addf %max3A_340, %log1p3A_346 : vector<256xf32>
    %neg3A_348 = arith.constant 0.000000e+00 : f32
    %neg3A_349 = vector.broadcast %neg3A_348 : f32 to vector<256xf32>
    %neg3A_350 = arith.subf %neg3A_349, %add3A_347 : vector<256xf32>
    %add3A_351 = arith.addf %add3A_333, %neg3A_350 : vector<256xf32>
    %slice3A_352 = vector.extract_strided_slice %get3A_1 {offsets = [0, 640], sizes = [256, 32], strides = [1, 1]} : vector<256x672xf32> to vector<256x32xf32>
    %mul3A_353 = arith.mulf %slice3A_352, %get3A_4 : vector<256x32xf32>
    %reduce_sum3A_354 = arith.constant dense<0.000000e+00> : vector<256xf32>
    %reduce_sum3A_355 = vector.multi_reduction <add>, %mul3A_353, %reduce_sum3A_354 [1] : vector<256x32xf32> to vector<256xf32>
    %max3A_356 = arith.constant 0.000000e+00 : f32
    %max3A_357 = vector.broadcast %max3A_356 : f32 to vector<256xf32>
    %max3A_358 = arith.maximumf %reduce_sum3A_355, %max3A_357 : vector<256xf32>
    %abs3A_359 = math.absf %reduce_sum3A_355 : vector<256xf32>
    %neg3A_360 = arith.constant 0.000000e+00 : f32
    %neg3A_361 = vector.broadcast %neg3A_360 : f32 to vector<256xf32>
    %neg3A_362 = arith.subf %neg3A_361, %abs3A_359 : vector<256xf32>
    %exp3A_363 = math.exp %neg3A_362 : vector<256xf32>
    %log1p3A_364 = math.log1p %exp3A_363 : vector<256xf32>
    %add3A_365 = arith.addf %max3A_358, %log1p3A_364 : vector<256xf32>
    %neg3A_366 = arith.constant 0.000000e+00 : f32
    %neg3A_367 = vector.broadcast %neg3A_366 : f32 to vector<256xf32>
    %neg3A_368 = arith.subf %neg3A_367, %add3A_365 : vector<256xf32>
    %add3A_369 = arith.addf %add3A_351, %neg3A_368 : vector<256xf32>
    %reduce_sum3A_370 = vector.shape_cast %add3A_369 : vector<256xf32> to vector<1x256xf32>
    %reduce_sum3A_371 = arith.constant dense<0.000000e+00> : vector<1xf32>
    %reduce_sum3A_372 = vector.multi_reduction <add>, %reduce_sum3A_370, %reduce_sum3A_371 [1] : vector<1x256xf32> to vector<1xf32>
    %reduce_sum3A_373 = vector.shape_cast %reduce_sum3A_372 : vector<1xf32> to vector<1x1xf32>
    %reduce_sum3A_374 = vector.extract %reduce_sum3A_373[0, 0] : f32 from vector<1x1xf32>
    %mul3A_375 = arith.constant -6.10351563E-5 : f32
    %mul3A_376 = arith.mulf %reduce_sum3A_374, %mul3A_375 : f32
    %eq3A = arith.constant 0 : i32
    %eq3A_377 = arith.cmpi eq, %arg0, %eq3A : i32
    %convert_element_type3A = arith.extui %eq3A_377 : i1 to i32
    %cond3A = arith.constant 0 : i32
    %cond3A_378 = arith.cmpi ne, %convert_element_type3A, %cond3A : i32
    scf.if %cond3A_378 {
      %swap3A_385 = arith.constant 0.000000e+00 : f32
      %swap3A_386 = arith.constant 0 : index
      %swap3A_387 = arith.constant 0 : index
      %swap3A_388 = memref.load %arg3[%swap3A_386, %swap3A_387] : memref<1x1xf32, #tpu.memory_space<smem>>
      memref.store %swap3A_385, %arg3[%swap3A_386, %swap3A_387] : memref<1x1xf32, #tpu.memory_space<smem>>
    } else {
    }
    %get3A_379 = arith.constant 0 : index
    %get3A_380 = arith.constant 0 : index
    %get3A_381 = memref.load %arg3[%get3A_379, %get3A_380] : memref<1x1xf32, #tpu.memory_space<smem>>
    %add3A_382 = arith.addf %get3A_381, %mul3A_376 : f32
    %swap3A = arith.constant 0 : index
    %swap3A_383 = arith.constant 0 : index
    %swap3A_384 = memref.load %arg3[%swap3A, %swap3A_383] : memref<1x1xf32, #tpu.memory_space<smem>>
    memref.store %add3A_382, %arg3[%swap3A, %swap3A_383] : memref<1x1xf32, #tpu.memory_space<smem>>
    return
  }
  func.func @transform_0(%arg0: i32) -> (i32, i32) {
    %c0_i32 = arith.constant 0 : i32
    %c0_i32_0 = arith.constant 0 : i32
    return %arg0, %c0_i32 : i32, i32
  }
  func.func @transform_1(%arg0: i32) -> (i32, i32) {
    %c0_i32 = arith.constant 0 : i32
    %c0_i32_0 = arith.constant 0 : i32
    return %arg0, %c0_i32 : i32, i32
  }
  func.func @transform_2(%arg0: i32) -> (i32, i32) {
    %c0_i32 = arith.constant 0 : i32
    %c0_i32_0 = arith.constant 0 : i32
    %c0_i32_1 = arith.constant 0 : i32
    return %c0_i32, %c0_i32_0 : i32, i32
  }
}

</mosaic_0001>

<sc_bundles>
// kernel: kernel.4.cloned.1.call-start
scs
__scs_entry_jumppad:
0x0: {  	(pc) =	sbr.rel $0x88, $3  }
0x1: {  	(tag) =	ssettag $0x0;
	lr =	simm.s32 $0x1  }
0x2: {  	[smem:$0x3F9E] =	sst lr;
	_ =	strace $0xD0000000  }
0x3: {  	_ = 	snop  }
0x4: {  	_ = 	snop  }
0x5: {  	_ = 	snop  }
0x6: {  	_ = 	snop  }
0x7: {  	_ = 	snop  }
__scs_overlays_trampoline_lowered:
0x8: {  	[smem:$0x3FAD] =	sst s0  }
0x9: {  	[smem:$0x3FAE] =	sst s1  }
0xa: {  	[smem:$0x3FAF] =	sst s2  }
0xb: {  	[smem:$0x3FB0] =	sst s3  }
0xc: {  	[smem:$0x3FB1] =	sst s4  }
0xd: {  	[smem:$0x3FB2] =	sst s5  }
0xe: {  	[smem:$0x3FB3] =	sst s6  }
0xf: {  	[smem:$0x3FB4] =	sst s7  }
0x10: {  	[smem:$0x3FB5] =	sst s8  }
0x11: {  	[smem:$0x3FB6] =	sst s9;
	s0 =	simm.s32 @!p0 $0x0  }
0x12: {  	s1 =	sld [smem:$0x3F9C];
	s0 =	simm.s32 @p0 $0x1  }
0x13: {  	[smem:$0x3FB7] =	sst s0;
	s0 =	simm.s32 @!p1 $0x0  }
0x14: {  	s2 =	sld [smem:$0x3F9B];
	s0 =	simm.s32 @p1 $0x1  }
0x15: {  	[smem:$0x3FB8] =	sst s0;
	s0 =	simm.s32 @!p2 $0x0  }
0x16: {  	s3 =	sld [smem:$0x3FDB];
	s0 =	simm.s32 @p2 $0x1  }
0x17: {  	s4 =	simm.s32 $0x1BF5;
	[smem:$0x3FBA] =	sst s0  }
0x18: {  	s0 =	sld [smem:$0x3F9D];
	_ =	swait.ge [sflag:s4], $0x0  }
0x19: {  	s7 =	sld [smem:$0x3F9E]  }
0x1a: {  	s8 =	sadd.s32 $0xFFFFE003, lr  }
0x1b: {  	s9 =	sadd.s32 $0xFFFFFEF7, lr;
	s5 =	simm.s32 $0xFFFFFFFF;
	p2 =	slt.u32 s8, $0xFFFFF086  }
0x1c: {  	p1 =	slt.u32 s9, $0xF7A;
	s5 =	simm.s32 @!p2 $0x0  }
0x1d: {  	s5 =	simm.s32 @p1 $0x1;
	p0 =	seq.s32 s7, s2  }
0x1e: {  	s7 =	smul.u32 @!p0 $0xF7A, s2;
	p2 =	seq.s32 @!p0 s5, $0x0  }
0x1f: {  	s9 =	smul.u32 $0xF7A, s1;
	s8 =	simm.s32 @!p0 $0x1BF5;
	p2 =	por !p2, p0  }
0x20: {  	[sflag:s8] =	ssyncset.s32 @!p0 $0xFFFFF086;
	s6 =	sadd.s32 @!p0 s3, s7;
	s7 =	simm.s32 @!p0 $0x108  }
0x21: {  	s3 =	sadd.s32 s3, s9;
	s6 =	sadd.s32 @!p0 $0x88, s6;
	s7 =	simm.s32 @p2 $0x1082  }
0x22: {  	[simem:s7], [sflag:s8] =	dma.local @!p0 [hbm:s6], $0xF7A  }
0x23: {  	s9 =	sor.u32 $0xD0000000, s2;
	s6 =	simm.s32 $0x108;
	_ =	swait.ge @!p0 [sflag:s8], $0x0  }
0x24: {  	s3 =	sadd.s32 $0x88, s3;
	s6 =	simm.s32 @!p1 $0x1082;
	[sflag:s4] =	ssyncset.s32 $0xFFFFF086  }
0x25: {  	[simem:s6], [sflag:s4] =	dma.local [hbm:s3], $0xF7A  }
0x26: {  	[smem:$0x3F9E] =	sst s1;
	(tag) =	ssettag s2;
	_ =	strace s9  }
0x27: {  	s1 =	sld [smem:$0x3FAE]  }
0x28: {  	s2 =	sld [smem:$0x3FAF]  }
0x29: {  	s4 =	sld [smem:$0x3FB1]  }
0x2a: {  	p0 =	seq.s32 s5, $0x0;
	s5 =	sld [smem:$0x3FB2]  }
0x2b: {  	s6 =	sld [smem:$0x3FB3]  }
0x2c: {  	s7 =	sld [smem:$0x3FB4]  }
0x2d: {  	s3 =	simm.s32 $0x108;
	s8 =	sld [smem:$0x3FB5]  }
0x2e: {  	s3 =	simm.s32 @!p0 $0x1082;
	s9 =	sld [smem:$0x3FB6]  }
0x2f: {  	lr =	sadd.s32 s0, s3;
	s0 =	sld [smem:$0x3FAD]  }
0x30: {  	s3 =	sld [smem:$0x3FB0]  }
0x31: {  	[smem:$0x3FB9] =	sst s10  }
0x32: {  	s10 =	sld [smem:$0x3FB7];
	_ =	sdelay $0x3  }
0x33: {  	p0 =	seq.s32 s10, $0x1;
	s10 =	sld [smem:$0x3FB9];
	_ =	sdelay $0x3  }
0x34: {  	[smem:$0x3FB9] =	sst s10  }
0x35: {  	s10 =	sld [smem:$0x3FB8];
	_ =	sdelay $0x3  }
0x36: {  	p1 =	seq.s32 s10, $0x1;
	s10 =	sld [smem:$0x3FB9];
	_ =	sdelay $0x3  }
0x37: {  	[smem:$0x3FB9] =	sst s10  }
0x38: {  	s10 =	sld [smem:$0x3FBA]  }
0x39: {  	_ = 	snop;
	(pc) =	sbr.ind lr, $3  }
0x3a: {  	_ = 	snop  }
0x3b: {  	_ = 	snop  }
0x3c: {  	p2 =	seq.s32 s10, $0x1;
	s10 =	sld [smem:$0x3FB9]  }
0x3d: {  	_ =	shalt  }
0x3e: {  	_ =	shalt  }
0x3f: {  	_ =	shalt  }
0x40: {  	_ =	shalt  }
0x41: {  	_ =	shalt  }
0x42: {  	_ =	shalt  }
0x43: {  	_ =	shalt  }
0x44: {  	_ =	shalt  }
0x45: {  	_ =	shalt  }
0x46: {  	_ =	shalt  }
0x47: {  	_ =	shalt  }
0x48: {  	_ =	shalt  }
0x49: {  	_ =	shalt  }
0x4a: {  	_ =	shalt  }
0x4b: {  	_ =	shalt  }
0x4c: {  	_ =	shalt  }
0x4d: {  	_ =	shalt  }
0x4e: {  	_ =	shalt  }
0x4f: {  	_ =	shalt  }
0x50: {  	_ =	shalt  }
0x51: {  	_ =	shalt  }
0x52: {  	_ =	shalt  }
0x53: {  	_ =	shalt  }
0x54: {  	_ =	shalt  }
0x55: {  	_ =	shalt  }
0x56: {  	_ =	shalt  }
0x57: {  	_ =	shalt  }
0x58: {  	_ =	shalt  }
0x59: {  	_ =	shalt  }
0x5a: {  	_ =	shalt  }
0x5b: {  	_ =	shalt  }
0x5c: {  	_ =	shalt  }
0x5d: {  	_ =	shalt  }
0x5e: {  	_ =	shalt  }
0x5f: {  	_ =	shalt  }
0x60: {  	_ =	shalt  }
0x61: {  	_ =	shalt  }
0x62: {  	_ =	shalt  }
0x63: {  	_ =	shalt  }
0x64: {  	_ =	shalt  }
0x65: {  	_ =	shalt  }
0x66: {  	_ =	shalt  }
0x67: {  	_ =	shalt  }
0x68: {  	_ =	shalt  }
0x69: {  	_ =	shalt  }
0x6a: {  	_ =	shalt  }
0x6b: {  	_ =	shalt  }
0x6c: {  	_ =	shalt  }
0x6d: {  	_ =	shalt  }
0x6e: {  	_ =	shalt  }
0x6f: {  	_ =	shalt  }
0x70: {  	_ =	shalt  }
0x71: {  	_ =	shalt  }
0x72: {  	_ =	shalt  }
0x73: {  	_ =	shalt  }
0x74: {  	_ =	shalt  }
0x75: {  	_ =	shalt  }
0x76: {  	_ =	shalt  }
0x77: {  	_ =	shalt  }
0x78: {  	_ =	shalt  }
0x79: {  	_ =	shalt  }
0x7a: {  	_ =	shalt  }
0x7b: {  	_ =	shalt  }
0x7c: {  	_ =	shalt  }
0x7d: {  	_ =	shalt  }
0x7e: {  	_ =	shalt  }
0x7f: {  	_ =	shalt  }
0x80: {  	_ =	shalt  }
0x81: {  	_ =	shalt  }
0x82: {  	_ =	shalt  }
0x83: {  	_ =	shalt  }
0x84: {  	_ =	shalt  }
0x85: {  	_ =	shalt  }
0x86: {  	_ =	shalt  }
0x87: {  	_ =	shalt  }
.Lfunc_end0:
.L_simem_size_0:
called_computation_lowered:
.L_overlay_start_0:
0x88: {  	s2 =	sld [smem:$0x3FD9]  }
0x89: {  	s3 =	sld [smem:$0x3FFE];
	_ =	sdelay $0x1  }
0x8a: {  	s1 =	srdreg.scid  }
0x8b: {  	s0 =	sand.u32 $0x1, s1  }
0x8c: {  	s16 =	sshll.u32 s0, $0xA;
	s2 =	sadd.s32 s3, s2  }
0x8d: {  	s2 =	sadd.s32 s2, s16  }
0x8e: {  	[smem:$0x3FC5] =	sst s2  }
0x8f: {  	_ = 	snop  }
0x90: {  	(tm) =	ssettm $0x1  }
0x91: {  	s17 =	sld [smem:$0x3FFB];
	_ =	sdelay $0x3  }
0x92: {  	_ =	strace s17  }
0x93: {  	s2 =	sld [smem:$0x3FFC];
	_ =	sdelay $0x3  }
0x94: {  	_ =	strace s2  }
0x95: {  	s2 =	sld [smem:$0x3FFD];
	_ =	sdelay $0x3  }
0x96: {  	_ =	strace s2  }
0x97: {  	_ =	strace $0x8FFFFFFF  }
0x98: {  	s18 =	sld [smem:$0x3FDB];
	_ =	sdelay $0x1  }
0x99: {  	s19 =	simm.s32 $_scs_section_size  }
0x9a: {  	s4 =	simm.s32 $_size__tile_overlayer_lowered;
	s5 =	simm.s32 $_tile_overlayer_lowered  }
0x9b: {  	s22 =	simm.s32 $0x1BFF;
	s21 =	sshll.u32 s5, $0x1;
	s2 =	sadd.s32 s19, s18  }
0x9c: {  	s6 =	simm.s32 $0x0;
	s20 =	sshll.u32 s4, $0x1;
	s4 =	sadd.s32 s21, s2  }
0x9d: {  	[timem:s6], [sflag:s22] =	dma.local [hbm:s4], s20  }
0x9e: {  	_ =	swait.ge [sflag:s22], s20  }
0x9f: {  	s3 =	ssub.s32 $0x0, s20;
	[sflag:s22] =	ssyncset.done $0x0  }
0xa0: {  	[sflag:s22] =	ssyncadd.s32 s3;
	_ =	sdelay $0x1  }
0xa1: {  	s23 =	simm.s32 $0x1B8B  }
0xa2: {  	_ =	swait.ge [sflag:s23], $0x1  }
0xa3: {  	[sflag:s23] =	ssyncset.done $0x0  }
0xa4: {  	s25 =	simm.s32 $0x1B8E;
	s24 =	sld [smem:$0x3FFE];
	[sflag:s23] =	ssyncadd.s32 $0xFFFFFFFF  }
0xa5: {  	s26 =	simm.s32 $execute0_lowered;
	[smem:$0x3FD2] =	sst s25  }
0xa6: {  	s4 =	sshll.u32 s26, $0x1;
	_ =	strace $0x80000046;
	[dreg:$0x1] =	wrdreg $0xFFFFFFFF  }
0xa7: {  	s28 =	simm.s32 $_size_execute0_lowered;
	s2 =	sadd.s32 s2, s4;
	[dreg:$0x0] =	wrdreg $0x0  }
0xa8: {  	s4 =	sshll.u32 s28, $0x1;
	[dreg:$0x2] =	wrdreg s2  }
0xa9: {  	[dreg:$0x3] =	wrdreg s4  }
0xaa: {  	[dreg:$0x4] =	wrdreg $0xC0  }
0xab: {  	_ =	task [dreg:s6], $0x5FFFF  }
0xac: {  	[dreg:$0x1] =	wrdreg $0xFFFFFFFF  }
0xad: {  	[dreg:$0x0] =	wrdreg $0x60  }
0xae: {  	[dreg:$0x2] =	wrdreg s24  }
0xaf: {  	[dreg:$0x3] =	wrdreg $0x9  }
0xb0: {  	_ =	task.clear_ibuf [dreg:s6], $0x4FFFF;
	_ =	strace $0x90000046  }
0xb1: {  	s29 =	simm.s32 $0x9;
	_ =	strace $0x80000048  }
0xb2: {  	_ =	swait.ge [sflag:s29], $0x1  }
0xb3: {  	[sflag:s29] =	ssyncadd.s32 $0xFFFFFFFF  }
0xb4: {  	_ =	strace $0x90000048  }
0xb5: {  	_ =	sfence  }
0xb6: {  	s30 =	sld [smem:$0x0];
	_ =	sdelay $0x2  }
0xb7: {  	s31 =	sshll.u32 s1, $0xD;
	s1 =	sshrl.u32 s1, $0x2  }
0xb8: {  	s3 =	sand.u32 $0x4000, s31;
	s1 =	sadd.s32 s1, s30  }
0xb9: {  	s0 =	sor.u32 s3, s0;
	s1 =	sshll.u32 s1, $0x11  }
0xba: {  	s0 =	sor.u32 s1, s0  }
0xbb: {  	s0 =	sadd.s32 $0x8F2B, s0  }
0xbc: {  	[sflag:s0] =	ssyncadd.remote.s32 $0x1  }
0xbd: {  	_ =	sfence.sel $0xFFFF  }
0xbe: {  	[dreg:$0x0] =	wrdreg $0xFFFFFFFF;
	(pc) =	sbr.abs _section_cstart, $3  }
0xbf: {  	[dreg:$0x1] =	wrdreg $0xFFFFFFFF  }
0xc0: {  	_ =	task.clear_ibuf [dreg:s6], $0x2FFFF;
	_ =	strace $0x9FFFFFFF  }
0xc1: {  	(tm) =	ssettm $0x7FFFFFFF  }
tec
execute0_lowered:
.L_overlay_start_1:
0x0: {  	(tag) =	ssettag $0x1  }
0x1: {  	s4 =	rddreg [dreg:$0x0]  }
0x2: {  	s0 =	rddreg [dreg:$0x1];
	s2 =	simm.s32 $0x0;
	s3 =	srdreg.scid  }
0x3: {  	s1 =	stileid.u32;
	s10 =	simm.s32 $0x1380;
	s11 =	simm.s32 $0x100  }
0x4: {  	s12 =	simm.s32 $0x2380;
	s13 =	simm.s32 $0x180;
	s14 =	simm.s32 $0x3380  }
0x5: {  	s15 =	simm.s32 $0x200;
	s16 =	simm.s32 $0x4380;
	s17 =	simm.s32 $0x280  }
0x6: {  	s18 =	simm.s32 $0x5380;
	s19 =	simm.s32 $0x300;
	s20 =	simm.s32 $0x6380  }
0x7: {  	s21 =	simm.s32 $0x1;
	s22 =	simm.s32 $0x0;
	s6 =	smul.u32 $0x5400, s1  }
0x8: {  	[smem:$0x7FF] =	sst s2;
	s5 =	sand.u32 $0x1, s3;
	s8 =	smul.u32 $0x15000, s1  }
0x9: {  	s3 =	sadd.s32 $0xF43400, s4;
	s7 =	smul.u32 $0x2A00, s5;
	s9 =	ssub.s32 $0x2, s5  }
0xa: {  	_ =	strace $0x80000047;
	s5 =	smul.u32 $0xA800, s5;
	s31 =	sshrl.u32 s9, $0x1  }
0xb: {  	s8 =	sadd.s32 s8, s4;
	s6 =	sadd.s32 s7, s6;
	s7 =	ssub.s32 s9, s31  }
0xc: {  	s5 =	sadd.s32 s5, s8;
	s8 =	simm.s32 $0x80;
	s6 =	sshrl.u32 s6, $0x3  }
0xd: {  	s9 =	simm.s32 $0x380;
	s5 =	sadd.s32 $0xB400, s5;
	s6 =	sadd.s32 s6, s4  }
0xe: {  	s4 =	smax.u32 s7, $0x1;
	s7 =	simm.s32 $0x2;
	s6 =	sadd.s32 $0xC00, s6  }
.LBB2_1:
0xf: {  	s23 =	sadd.s32 $0x0, s6  }
0x10: {  	[tilespmem:s2], [sflag:$0x2] =	stream.linear.gather [hbm4b:s23+s2], $0x380, $0x38;
	[tilespmem:$0x7380] =	vst v63  }
0x11: {  	_ =	swait.ge [sflag:s7], $0x380  }
0x12: {  	[sflag:s7] =	ssyncset.done $0x0  }
0x13: {  	[sflag:s7] =	ssyncadd.s32 $0xFFFFFC80  }
0x14: {  	[tilespmem:s9], [sflag:$0x1] =	stream.indirect.gather [hbm4b:s3+s8], $0x20, s2, s8, $0xb8;
	[tilespmem:$0x7380] =	vst v63  }
0x15: {  	_ = 	snop  }
0x16: {  	[tilespmem:s10], [sflag:$0x1] =	stream.indirect.gather [hbm4b:s3+s8], $0x20, s8, s8, $0xb8;
	[tilespmem:$0x7380] =	vst v63  }
0x17: {  	_ = 	snop  }
0x18: {  	[tilespmem:s12], [sflag:$0x1] =	stream.indirect.gather [hbm4b:s3+s8], $0x20, s11, s8, $0xb8;
	[tilespmem:$0x7380] =	vst v63  }
0x19: {  	_ = 	snop  }
0x1a: {  	[tilespmem:s14], [sflag:$0x1] =	stream.indirect.gather [hbm4b:s3+s8], $0x20, s13, s8, $0xb8;
	[tilespmem:$0x7380] =	vst v63  }
0x1b: {  	_ = 	snop  }
0x1c: {  	[tilespmem:s16], [sflag:$0x1] =	stream.indirect.gather [hbm4b:s3+s8], $0x20, s15, s8, $0xb8;
	[tilespmem:$0x7380] =	vst v63  }
0x1d: {  	_ = 	snop  }
0x1e: {  	[tilespmem:s18], [sflag:$0x1] =	stream.indirect.gather [hbm4b:s3+s8], $0x20, s17, s8, $0xb8;
	[tilespmem:$0x7380] =	vst v63  }
0x1f: {  	_ = 	snop  }
0x20: {  	[tilespmem:s20], [sflag:$0x1] =	stream.indirect.gather [hbm4b:s3+s8], $0x20, s19, s8, $0xb8;
	[tilespmem:$0x7380] =	vst v63  }
0x21: {  	_ =	swait.ge [sflag:s21], $0x1000  }
0x22: {  	[sflag:s21] =	ssyncset.done $0x0  }
0x23: {  	[sflag:s21] =	ssyncadd.s32 $0xFFFFF000  }
0x24: {  	_ =	swait.ge [sflag:s21], $0x1000  }
0x25: {  	[sflag:s21] =	ssyncset.done $0x0  }
0x26: {  	[sflag:s21] =	ssyncadd.s32 $0xFFFFF000  }
0x27: {  	_ =	swait.ge [sflag:s21], $0x1000  }
0x28: {  	[sflag:s21] =	ssyncset.done $0x0  }
0x29: {  	[sflag:s21] =	ssyncadd.s32 $0xFFFFF000  }
0x2a: {  	_ =	swait.ge [sflag:s21], $0x1000  }
0x2b: {  	[sflag:s21] =	ssyncset.done $0x0  }
0x2c: {  	[sflag:s21] =	ssyncadd.s32 $0xFFFFF000  }
0x2d: {  	_ =	swait.ge [sflag:s21], $0x1000  }
0x2e: {  	[sflag:s21] =	ssyncset.done $0x0  }
0x2f: {  	[sflag:s21] =	ssyncadd.s32 $0xFFFFF000  }
0x30: {  	_ =	swait.ge [sflag:s21], $0x1000  }
0x31: {  	[sflag:s21] =	ssyncset.done $0x0  }
0x32: {  	[sflag:s21] =	ssyncadd.s32 $0xFFFFF000  }
0x33: {  	_ =	swait.ge [sflag:s21], $0x1000  }
0x34: {  	[sflag:s21] =	ssyncset.done $0x0  }
0x35: {  	[sflag:s21] =	ssyncadd.s32 $0xFFFFF000  }
0x36: {  	[hbm4b:s5+s2] =	stream.linear.scatter [tilespmem:s9], [sflag:$0x2], $0x7000, $0x38;
	[tilespmem:$0x7380] =	vst v63  }
0x37: {  	s24 =	simm.s32 $0x70;
	_ =	swait.ge [sflag:s7], $0x7000  }
0x38: {  	s26 =	simm.s32 $0xE0;
	s23 =	sadd.s32 $0xE00, s5;
	[sflag:s7] =	ssyncset.done $0x0  }
.LBB2_2:
0x39: {  	s28 =	sadd.s32 s24, s6  }
0x3a: {  	[sflag:s7] =	ssyncadd.s32 $0xFFFF9000;
	s24 =	smov.u32 s26;
	s25 =	sadd.s32 $0x70, s26  }
0x3b: {  	[tilespmem:s2], [sflag:$0x2] =	stream.linear.gather [hbm4b:s28+s2], $0x380, $0x38;
	[tilespmem:$0x7380] =	vst v63  }
0x3c: {  	p0 =	sne.s32 s26, $0x4D0;
	_ =	swait.ge [sflag:s7], $0x380  }
0x3d: {  	[sflag:s7] =	ssyncset.done $0x0  }
0x3e: {  	[sflag:s7] =	ssyncadd.s32 $0xFFFFFC80  }
0x3f: {  	[tilespmem:s9], [sflag:$0x1] =	stream.indirect.gather [hbm4b:s3+s8], $0x20, s2, s8, $0xb8;
	[tilespmem:$0x7380] =	vst v63  }
0x40: {  	_ = 	snop  }
0x41: {  	[tilespmem:s10], [sflag:$0x1] =	stream.indirect.gather [hbm4b:s3+s8], $0x20, s8, s8, $0xb8;
	[tilespmem:$0x7380] =	vst v63  }
0x42: {  	_ = 	snop  }
0x43: {  	[tilespmem:s12], [sflag:$0x1] =	stream.indirect.gather [hbm4b:s3+s8], $0x20, s11, s8, $0xb8;
	[tilespmem:$0x7380] =	vst v63  }
0x44: {  	_ = 	snop  }
0x45: {  	[tilespmem:s14], [sflag:$0x1] =	stream.indirect.gather [hbm4b:s3+s8], $0x20, s13, s8, $0xb8;
	[tilespmem:$0x7380] =	vst v63  }
0x46: {  	_ = 	snop  }
0x47: {  	[tilespmem:s16], [sflag:$0x1] =	stream.indirect.gather [hbm4b:s3+s8], $0x20, s15, s8, $0xb8;
	[tilespmem:$0x7380] =	vst v63  }
0x48: {  	_ = 	snop  }
0x49: {  	[tilespmem:s18], [sflag:$0x1] =	stream.indirect.gather [hbm4b:s3+s8], $0x20, s17, s8, $0xb8;
	[tilespmem:$0x7380] =	vst v63  }
0x4a: {  	_ = 	snop  }
0x4b: {  	[tilespmem:s20], [sflag:$0x1] =	stream.indirect.gather [hbm4b:s3+s8], $0x20, s19, s8, $0xb8;
	[tilespmem:$0x7380] =	vst v63  }
0x4c: {  	_ =	swait.ge [sflag:s21], $0x1000  }
0x4d: {  	[sflag:s21] =	ssyncset.done $0x0  }
0x4e: {  	[sflag:s21] =	ssyncadd.s32 $0xFFFFF000  }
0x4f: {  	_ =	swait.ge [sflag:s21], $0x1000  }
0x50: {  	[sflag:s21] =	ssyncset.done $0x0  }
0x51: {  	[sflag:s21] =	ssyncadd.s32 $0xFFFFF000  }
0x52: {  	_ =	swait.ge [sflag:s21], $0x1000  }
0x53: {  	[sflag:s21] =	ssyncset.done $0x0  }
0x54: {  	[sflag:s21] =	ssyncadd.s32 $0xFFFFF000  }
0x55: {  	_ =	swait.ge [sflag:s21], $0x1000  }
0x56: {  	[sflag:s21] =	ssyncset.done $0x0  }
0x57: {  	[sflag:s21] =	ssyncadd.s32 $0xFFFFF000  }
0x58: {  	_ =	swait.ge [sflag:s21], $0x1000  }
0x59: {  	[sflag:s21] =	ssyncset.done $0x0  }
0x5a: {  	[sflag:s21] =	ssyncadd.s32 $0xFFFFF000  }
0x5b: {  	_ =	swait.ge [sflag:s21], $0x1000  }
0x5c: {  	[sflag:s21] =	ssyncset.done $0x0  }
0x5d: {  	[sflag:s21] =	ssyncadd.s32 $0xFFFFF000  }
0x5e: {  	_ =	swait.ge [sflag:s21], $0x1000  }
.Ltmp0:
0x5f: {  	[sflag:s21] =	ssyncset.done $0x0;
	(pc) =	sbr.rel @p0 .LBB2_2-.Ltmp0, $4  }
0x60: {  	[sflag:s21] =	ssyncadd.s32 $0xFFFFF000  }
0x61: {  	[hbm4b:s23+s2] =	stream.linear.scatter [tilespmem:s9], [sflag:$0x2], $0x7000, $0x38;
	[tilespmem:$0x7380] =	vst v63  }
0x62: {  	_ =	swait.ge [sflag:s7], $0x7000  }
0x63: {  	s26 =	smov.u32 s25;
	s23 =	sadd.s32 $0xE00, s23;
	[sflag:s7] =	ssyncset.done $0x0  }
0x64: {  	s24 =	sadd.s32 s24, s6;
	[sflag:s7] =	ssyncadd.s32 $0xFFFF9000  }
0x65: {  	[tilespmem:s2], [sflag:$0x2] =	stream.linear.gather [hbm4b:s24+s2], $0x380, $0x38;
	[tilespmem:$0x7380] =	vst v63  }
0x66: {  	_ =	swait.ge [sflag:s7], $0x380  }
0x67: {  	[sflag:s7] =	ssyncset.done $0x0  }
0x68: {  	[sflag:s7] =	ssyncadd.s32 $0xFFFFFC80  }
0x69: {  	[tilespmem:s9], [sflag:$0x1] =	stream.indirect.gather [hbm4b:s3+s8], $0x20, s2, s8, $0xb8;
	[tilespmem:$0x7380] =	vst v63  }
0x6a: {  	_ = 	snop  }
0x6b: {  	[tilespmem:s10], [sflag:$0x1] =	stream.indirect.gather [hbm4b:s3+s8], $0x20, s8, s8, $0xb8;
	[tilespmem:$0x7380] =	vst v63  }
0x6c: {  	_ = 	snop  }
0x6d: {  	[tilespmem:s12], [sflag:$0x1] =	stream.indirect.gather [hbm4b:s3+s8], $0x20, s11, s8, $0xb8;
	[tilespmem:$0x7380] =	vst v63  }
0x6e: {  	_ = 	snop  }
0x6f: {  	[tilespmem:s14], [sflag:$0x1] =	stream.indirect.gather [hbm4b:s3+s8], $0x20, s13, s8, $0xb8;
	[tilespmem:$0x7380] =	vst v63  }
0x70: {  	_ = 	snop  }
0x71: {  	[tilespmem:s16], [sflag:$0x1] =	stream.indirect.gather [hbm4b:s3+s8], $0x20, s15, s8, $0xb8;
	[tilespmem:$0x7380] =	vst v63  }
0x72: {  	_ = 	snop  }
0x73: {  	[tilespmem:s18], [sflag:$0x1] =	stream.indirect.gather [hbm4b:s3+s8], $0x20, s17, s8, $0xb8;
	[tilespmem:$0x7380] =	vst v63  }
0x74: {  	_ = 	snop  }
0x75: {  	[tilespmem:s20], [sflag:$0x1] =	stream.indirect.gather [hbm4b:s3+s8], $0x20, s19, s8, $0xb8;
	[tilespmem:$0x7380] =	vst v63  }
0x76: {  	_ =	swait.ge [sflag:s21], $0x1000  }
0x77: {  	[sflag:s21] =	ssyncset.done $0x0  }
0x78: {  	[sflag:s21] =	ssyncadd.s32 $0xFFFFF000  }
0x79: {  	_ =	swait.ge [sflag:s21], $0x1000  }
0x7a: {  	[sflag:s21] =	ssyncset.done $0x0  }
0x7b: {  	[sflag:s21] =	ssyncadd.s32 $0xFFFFF000  }
0x7c: {  	_ =	swait.ge [sflag:s21], $0x1000  }
0x7d: {  	[sflag:s21] =	ssyncset.done $0x0  }
0x7e: {  	[sflag:s21] =	ssyncadd.s32 $0xFFFFF000  }
0x7f: {  	_ =	swait.ge [sflag:s21], $0x1000  }
0x80: {  	[sflag:s21] =	ssyncset.done $0x0  }
0x81: {  	[sflag:s21] =	ssyncadd.s32 $0xFFFFF000  }
0x82: {  	_ =	swait.ge [sflag:s21], $0x1000  }
0x83: {  	[sflag:s21] =	ssyncset.done $0x0  }
0x84: {  	[sflag:s21] =	ssyncadd.s32 $0xFFFFF000  }
0x85: {  	_ =	swait.ge [sflag:s21], $0x1000  }
0x86: {  	[sflag:s21] =	ssyncset.done $0x0  }
0x87: {  	[sflag:s21] =	ssyncadd.s32 $0xFFFFF000  }
0x88: {  	s22 =	sadd.s32 $0x1, s22;
	_ =	swait.ge [sflag:s21], $0x1000  }
0x89: {  	p0 =	sne.s32 s22, s4;
	[sflag:s21] =	ssyncset.done $0x0  }
.Ltmp1:
0x8a: {  	[sflag:s21] =	ssyncadd.s32 $0xFFFFF000;
	(pc) =	sbr.rel @p0 .LBB2_1-.Ltmp1, $4  }
0x8b: {  	[hbm4b:s23+s2] =	stream.linear.scatter [tilespmem:s9], [sflag:$0x2], $0x7000, $0x38;
	[tilespmem:$0x7380] =	vst v63  }
0x8c: {  	_ =	swait.ge [sflag:s7], $0x7000  }
0x8d: {  	[sflag:s7] =	ssyncset.done $0x0  }
0x8e: {  	[sflag:s7] =	ssyncadd.s32 $0xFFFF9000  }
0x8f: {  	_ =	sfence.sel $0x180000  }
0x90: {  	[bflag:$0x0] =	sbarrier.arrive $0xFFFF  }
0x91: {  	p0 =	sne.s32 s1, $0x0;
	_ =	strace $0x90000047  }
0x92: {  	s0 =	sadd.s32 @!p0 $0x100000, s0;
	[bflag:$0x2] =	sbarrier.arrive $0xFFFF  }
0x93: {  	[sflag:s0] =	ssyncadd.tile.s32 @!p0 $0x1;
	_ =	shalt  }
.Lfunc_end2:
_tile_overlayer_lowered:
.L_overlay_start_2:
0x94: {  	(tag) =	ssettag $0x2  }
0x95: {  	s0 =	rddreg [dreg:$0x0];
	s2 =	stileid.u32  }
0x96: {  	s1 =	rddreg [dreg:$0x1];
	p0 =	sne.s32 s2, $0x0  }
0x97: {  	s3 =	rddreg [dreg:$0x2];
	[bflag:$0x3] =	sbarrier.arrive $0xFFFF;
	s2 =	simm.s32 @!p0 $0x1C02  }
0x98: {  	[timem:s3], [sflag:s2] =	dma.local @!p0 [hbm:s0], s1  }
0x99: {  	s0 =	simm.s32 @!p0 $0x2  }
0x9a: {  	_ =	swait.ge @!p0 [sflag:s0], s1  }
0x9b: {  	s1 =	ssub.s32 @!p0 $0x0, s1;
	[sflag:s0] =	ssyncset.done @!p0 $0x0  }
0x9c: {  	[sflag:s0] =	ssyncadd.s32 @!p0 s1  }
0x9d: {  	[bflag:$0x3] =	sbarrier.arrive $0xFFFF  }
0x9e: {  	_ =	shalt  }

</sc_bundles>
